<compile_context>
chip_gen: v7x
topology: tpu7x:2x2x1
jax: 0.10.2.dev20260603
libtpu: 0.0.44.dev20260713+nightly
codegen_flags: <defaults>
</compile_context>

<pallas_src>
import functools

import jax
import jax.numpy as jnp
from jax import lax
from jax.experimental import pallas as pl
from jax.experimental.pallas import tpu as pltpu
from jax.experimental.pallas import tpu_sc as plsc

VOCAB = 100000
EMBED_DIM = 300
BATCH = 16384
TAIL = EMBED_DIM - 256


@functools.lru_cache(maxsize=None)
def _make_gather_kernel():
    info = plsc.get_sparse_core_info()
    nc, ns = info.num_cores, info.num_subcores
    nw = nc * ns
    bpw = BATCH // nw
    chunk = 64
    nch = bpw // chunk
    mesh = plsc.VectorSubcoreMesh(core_axis_name="c", subcore_axis_name="s")
    params = pltpu.CompilerParams(needs_layout_passes=False)

    @functools.partial(
        pl.kernel,
        mesh=mesh,
        compiler_params=params,
        out_type=[jax.ShapeDtypeStruct((BATCH, EMBED_DIM), jnp.float32)] * 3,
        scratch_types=[
            pltpu.VMEM((bpw,), jnp.int32),
            pltpu.VMEM((chunk, EMBED_DIM), jnp.float32),
            pltpu.VMEM((chunk, EMBED_DIM), jnp.float32),
            pltpu.VMEM((chunk, 128), jnp.float32),
            pltpu.VMEM((chunk, 128), jnp.float32),
            pltpu.SemaphoreType.DMA,
            pltpu.SemaphoreType.DMA,
            pltpu.SemaphoreType.DMA,
            pltpu.SemaphoreType.DMA,
        ],
    )
    def gather_k(table, tailp, tw, sy, an, o0, o1, o2,
                 idx_v, st0, st1, tb0, tb1, g0, g1, w0, w1):
        idx_in = (tw, sy, an)
        outs = (o0, o1, o2)
        stages = (st0, st1)
        tails = (tb0, tb1)
        gsems = (g0, g1)
        wsems = (w0, w1)
        wid = lax.axis_index("s") * nc + lax.axis_index("c")
        base = wid * bpw

        def pieces(c, p):
            isl = idx_v.at[pl.ds(c * chunk, chunk)]
            st = stages[p]
            return (
                (table.at[isl, pl.ds(0, 128)], st.at[:, pl.ds(0, 128)]),
                (table.at[isl, pl.ds(128, 128)], st.at[:, pl.ds(128, 128)]),
                (tailp.at[isl, pl.ds(0, 128)], tails[p]),
            )

        def prep(c, p):
            for src, dst in pieces(c, p):
                pltpu.async_copy(src, dst, gsems[p])

        def wait_gather(c, p):
            for src, dst in pieces(c, p):
                pltpu.make_async_copy(src, dst, gsems[p]).wait()

        def wait_write(out, p):
            pltpu.make_async_copy(
                stages[p], out.at[pl.ds(base, chunk)], wsems[p]).wait()

        def tail_fix(p):
            st = stages[p]
            tb = tails[p]

            @pl.loop(0, chunk)
            def row(r):
                for c in (0, 16, TAIL - 16):
                    st[r, pl.ds(256 + c, 16)] = tb[r, pl.ds(84 + c, 16)]

        for a in range(3):
            out = outs[a]
            pltpu.sync_copy(idx_in[a].at[pl.ds(base, bpw)], idx_v)
            prep(0, 0)

            @pl.loop(0, nch, step=2)
            def chunk_pair(c0):
                for p in range(2):
                    c = c0 + p
                    nxt = c + 1
                    q = (p + 1) % 2

                    @pl.when(nxt < nch)
                    def _():
                        @pl.when(nxt >= 2)
                        def _():
                            wait_write(out, q)

                        prep(nxt, q)

                    wait_gather(c, p)
                    tail_fix(p)
                    pltpu.async_copy(
                        stages[p],
                        out.at[pl.ds(base + c * chunk, chunk)],
                        wsems[p])

            wait_write(out, 0)
            wait_write(out, 1)

    return gather_k


def kernel(table, target_word, synonym, antonym):
    tailp = table[:, EMBED_DIM - 128:]
    out = _make_gather_kernel()(table, tailp, target_word, synonym, antonym)
    return (out[0], out[1], out[2])

# --- scband reference (transcript-rebuilt; emitter-appended) ---
"""Pipeline reference for scband-language-model-11020886081628 (READ-ONLY COPY).

The authoritative reference and input builder live on the scoring server;
editing this copy changes nothing except your own understanding.
"""

import jax, jax.numpy as jnp
import numpy as np

VOCAB = 100000
EMBED_DIM = 300
BATCH = 16384


def setup_inputs(seed: int = 0) -> dict:
    key = jax.random.key(seed)
    k_tab, k_t, k_s, k_a = jax.random.split(key, 4)
    table = jax.random.normal(k_tab, (VOCAB, EMBED_DIM), dtype=jnp.float32)
    target_word = jax.random.randint(k_t, (BATCH,), 0, VOCAB, dtype=jnp.int64 if jax.config.jax_enable_x64 else jnp.int32)
    synonym = jax.random.randint(k_s, (BATCH,), 0, VOCAB, dtype=jnp.int64 if jax.config.jax_enable_x64 else jnp.int32)
    antonym = jax.random.randint(k_a, (BATCH,), 0, VOCAB, dtype=jnp.int64 if jax.config.jax_enable_x64 else jnp.int32)
    return {"table": table, "target_word": target_word, "synonym": synonym, "antonym": antonym}


def reference(table, target_word, synonym, antonym):
    # Faithful translation of LanguageModel.forward: three embedding lookups
    # into the shared embedding table; fc1/fc2/fc3 are dead code in the
    # original forward (it returns before using them).
    tw = jnp.take(table, target_word, axis=0)
    sy = jnp.take(table, synonym, axis=0)
    an = jnp.take(table, antonym, axis=0)
    return (tw, sy, an)

if __name__ == "__main__":
    import jax
    _d = setup_inputs()
    print(jax.jit(kernel)(*tuple(_d.values())))

</pallas_src>

<mosaic_0001>
#map = affine_map<(d0, d1) -> (0, 0)>
#map1 = affine_map<(d0, d1) -> (0)>
module attributes {stable_mosaic.version = 14 : i64} {
  func.func @gather_k(%arg0: i32, %arg1: i32, %arg2: memref<100000x300xf32, #tpu.memory_space<hbm>>, %arg3: memref<100000x128xf32, #tpu.memory_space<hbm>>, %arg4: memref<16384xi32, #tpu.memory_space<hbm>>, %arg5: memref<16384xi32, #tpu.memory_space<hbm>>, %arg6: memref<16384xi32, #tpu.memory_space<hbm>>, %arg7: memref<16384x300xf32, #tpu.memory_space<hbm>>, %arg8: memref<16384x300xf32, #tpu.memory_space<hbm>>, %arg9: memref<16384x300xf32, #tpu.memory_space<hbm>>, %arg10: memref<512xi32, #tpu.memory_space<vmem>>, %arg11: memref<64x300xf32, #tpu.memory_space<vmem>>, %arg12: memref<64x300xf32, #tpu.memory_space<vmem>>, %arg13: memref<64x128xf32, #tpu.memory_space<vmem>>, %arg14: memref<64x128xf32, #tpu.memory_space<vmem>>, %arg15: memref<!tpu.dma_semaphore, #tpu.memory_space<semaphore_mem>>, %arg16: memref<!tpu.dma_semaphore, #tpu.memory_space<semaphore_mem>>, %arg17: memref<!tpu.dma_semaphore, #tpu.memory_space<semaphore_mem>>, %arg18: memref<!tpu.dma_semaphore, #tpu.memory_space<semaphore_mem>>) attributes {dimension_semantics = [#tpu.dimension_semantics<core_parallel>, #tpu.dimension_semantics<subcore_parallel>], iteration_bounds = array<i64: 2, 16>, scalar_prefetch = 0 : i64, scratch_operands = 9 : i64, tpu.core_type = #tpu.core_type<sc_vector_subcore>, window_params = [{transform_indices = #map}, {transform_indices = #map}, {transform_indices = #map1}, {transform_indices = #map1}, {transform_indices = #map1}, {transform_indices = #map}, {transform_indices = #map}, {transform_indices = #map}]} {
    %mul3A = arith.constant 2 : i32
    %mul3A_0 = arith.muli %arg1, %mul3A : i32
    %add3A = arith.addi %mul3A_0, %arg0 : i32
    %mul3A_1 = arith.constant 512 : i32
    %mul3A_2 = arith.muli %add3A, %mul3A_1 : i32
    "tpu.region"() ({
      %run_scoped3A = tpu.sem_alloc : memref<!tpu.dma_semaphore, #tpu.memory_space<semaphore_mem>>
      %dma_start3A_102 = tpu.memref_slice %arg4[%mul3A_2] : memref<16384xi32, #tpu.memory_space<hbm>> -> memref<512xi32, #tpu.memory_space<hbm>>
      %dma_start3A_103 = tpu.memref_slice %arg4[%mul3A_2] : memref<16384xi32, #tpu.memory_space<hbm>> -> memref<512xi32, #tpu.memory_space<hbm>>
      tpu.enqueue_dma source(%dma_start3A_103 : memref<512xi32, #tpu.memory_space<hbm>>) target(%arg10 : memref<512xi32, #tpu.memory_space<vmem>>) target_semaphore(%run_scoped3A : memref<!tpu.dma_semaphore, #tpu.memory_space<semaphore_mem>>)
      %dma_wait3A_104 = tpu.memref_slice %arg4[%mul3A_2] : memref<16384xi32, #tpu.memory_space<hbm>> -> memref<512xi32, #tpu.memory_space<hbm>>
      %dma_wait3A_105 = tpu.memref_slice %arg4[%mul3A_2] : memref<16384xi32, #tpu.memory_space<hbm>> -> memref<512xi32, #tpu.memory_space<hbm>>
      tpu.wait_dma2 semaphore(%run_scoped3A : memref<!tpu.dma_semaphore, #tpu.memory_space<semaphore_mem>>) src(%dma_wait3A_105 : memref<512xi32, #tpu.memory_space<hbm>>) dst(%arg10 : memref<512xi32, #tpu.memory_space<vmem>>)
      tpu.yield
    }) : () -> ()
    %dma_start3A = arith.constant 0 : i32
    %dma_start3A_3 = arith.constant 0 : i32
    %dma_start3A_4 = tpu.memref_slice %arg11[%dma_start3A, %dma_start3A_3] : memref<64x300xf32, #tpu.memory_space<vmem>> -> memref<64x128xf32, #tpu.memory_space<vmem>>
    %dma_start3A_5 = arith.constant 0 : i32
    %dma_start3A_6 = tpu.memref_slice %arg10[%dma_start3A_5] : memref<512xi32, #tpu.memory_space<vmem>> -> memref<64xi32, #tpu.memory_space<vmem>>
    %dma_start3A_7 = arith.constant 0 : i32
    %dma_start3A_8 = arith.constant 0 : i32
    %dma_start3A_9 = tpu.memref_slice %arg2[%dma_start3A_7, %dma_start3A_8] : memref<100000x300xf32, #tpu.memory_space<hbm>> -> memref<100000x128xf32, #tpu.memory_space<hbm>>
    tpu.enqueue_indirect_dma source(%dma_start3A_9 : memref<100000x128xf32, #tpu.memory_space<hbm>>) target(%dma_start3A_4 : memref<64x128xf32, #tpu.memory_space<vmem>>) offsets(%dma_start3A_6 : memref<64xi32, #tpu.memory_space<vmem>>) semaphore(%arg15 : memref<!tpu.dma_semaphore, #tpu.memory_space<semaphore_mem>>)
    %dma_start3A_10 = arith.constant 0 : i32
    %dma_start3A_11 = arith.constant 128 : i32
    %dma_start3A_12 = tpu.memref_slice %arg11[%dma_start3A_10, %dma_start3A_11] : memref<64x300xf32, #tpu.memory_space<vmem>> -> memref<64x128xf32, #tpu.memory_space<vmem>>
    %dma_start3A_13 = arith.constant 0 : i32
    %dma_start3A_14 = tpu.memref_slice %arg10[%dma_start3A_13] : memref<512xi32, #tpu.memory_space<vmem>> -> memref<64xi32, #tpu.memory_space<vmem>>
    %dma_start3A_15 = arith.constant 0 : i32
    %dma_start3A_16 = arith.constant 128 : i32
    %dma_start3A_17 = tpu.memref_slice %arg2[%dma_start3A_15, %dma_start3A_16] : memref<100000x300xf32, #tpu.memory_space<hbm>> -> memref<100000x128xf32, #tpu.memory_space<hbm>>
    tpu.enqueue_indirect_dma source(%dma_start3A_17 : memref<100000x128xf32, #tpu.memory_space<hbm>>) target(%dma_start3A_12 : memref<64x128xf32, #tpu.memory_space<vmem>>) offsets(%dma_start3A_14 : memref<64xi32, #tpu.memory_space<vmem>>) semaphore(%arg15 : memref<!tpu.dma_semaphore, #tpu.memory_space<semaphore_mem>>)
    %dma_start3A_18 = arith.constant 0 : i32
    %dma_start3A_19 = tpu.memref_slice %arg10[%dma_start3A_18] : memref<512xi32, #tpu.memory_space<vmem>> -> memref<64xi32, #tpu.memory_space<vmem>>
    %dma_start3A_20 = arith.constant 0 : i32
    %dma_start3A_21 = arith.constant 0 : i32
    %dma_start3A_22 = tpu.memref_slice %arg3[%dma_start3A_20, %dma_start3A_21] : memref<100000x128xf32, #tpu.memory_space<hbm>> -> memref<100000x128xf32, #tpu.memory_space<hbm>>
    tpu.enqueue_indirect_dma source(%dma_start3A_22 : memref<100000x128xf32, #tpu.memory_space<hbm>>) target(%arg13 : memref<64x128xf32, #tpu.memory_space<vmem>>) offsets(%dma_start3A_19 : memref<64xi32, #tpu.memory_space<vmem>>) semaphore(%arg15 : memref<!tpu.dma_semaphore, #tpu.memory_space<semaphore_mem>>)
    %scan3A = arith.constant 0 : i32
    %scan3A_23 = arith.constant 4 : i32
    %scan3A_24 = arith.addi %scan3A, %scan3A_23 : i32
    %scan3A_25 = arith.constant 1 : i32
    scf.for %scan3A_102 = %scan3A to %scan3A_24 step %scan3A_25  : i32 {
      %mul3A_103 = arith.constant 2 : i32
      %mul3A_104 = arith.muli %scan3A_102, %mul3A_103 : i32
      %add3A_105 = arith.constant 0 : i32
      %add3A_106 = arith.addi %add3A_105, %mul3A_104 : i32
      %add3A_107 = arith.constant 0 : i32
      %add3A_108 = arith.addi %add3A_106, %add3A_107 : i32
      %add3A_109 = arith.constant 1 : i32
      %add3A_110 = arith.addi %add3A_108, %add3A_109 : i32
      %lt3A = arith.constant 8 : i32
      %lt3A_111 = arith.cmpi slt, %add3A_110, %lt3A : i32
      %convert_element_type3A = arith.extui %lt3A_111 : i1 to i32
      %cond3A = arith.constant 0 : i32
      %cond3A_112 = arith.cmpi ne, %convert_element_type3A, %cond3A : i32
      scf.if %cond3A_112 {
        %ge3A = arith.constant 2 : i32
        %ge3A_186 = arith.cmpi sge, %add3A_110, %ge3A : i32
        %convert_element_type3A_187 = arith.extui %ge3A_186 : i1 to i32
        %cond3A_188 = arith.constant 0 : i32
        %cond3A_189 = arith.cmpi ne, %convert_element_type3A_187, %cond3A_188 : i32
        scf.if %cond3A_189 {
          %dma_wait3A_210 = arith.constant 0 : i32
          %dma_wait3A_211 = tpu.memref_slice %arg7[%mul3A_2, %dma_wait3A_210] : memref<16384x300xf32, #tpu.memory_space<hbm>> -> memref<64x300xf32, #tpu.memory_space<hbm>>
          %dma_wait3A_212 = arith.constant 0 : i32
          %dma_wait3A_213 = tpu.memref_slice %arg7[%mul3A_2, %dma_wait3A_212] : memref<16384x300xf32, #tpu.memory_space<hbm>> -> memref<64x300xf32, #tpu.memory_space<hbm>>
          tpu.wait_dma2 semaphore(%arg18 : memref<!tpu.dma_semaphore, #tpu.memory_space<semaphore_mem>>) src(%arg12 : memref<64x300xf32, #tpu.memory_space<vmem>>) dst(%dma_wait3A_213 : memref<64x300xf32, #tpu.memory_space<hbm>>)
        } else {
        }
        %mul3A_190 = arith.constant 64 : i32
        %mul3A_191 = arith.muli %add3A_110, %mul3A_190 : i32
        %dma_start3A_192 = arith.constant 0 : i32
        %dma_start3A_193 = arith.constant 0 : i32
        %dma_start3A_194 = tpu.memref_slice %arg12[%dma_start3A_192, %dma_start3A_193] : memref<64x300xf32, #tpu.memory_space<vmem>> -> memref<64x128xf32, #tpu.memory_space<vmem>>
        %dma_start3A_195 = tpu.memref_slice %arg10[%mul3A_191] : memref<512xi32, #tpu.memory_space<vmem>> -> memref<64xi32, #tpu.memory_space<vmem>>
        %dma_start3A_196 = arith.constant 0 : i32
        %dma_start3A_197 = arith.constant 0 : i32
        %dma_start3A_198 = tpu.memref_slice %arg2[%dma_start3A_196, %dma_start3A_197] : memref<100000x300xf32, #tpu.memory_space<hbm>> -> memref<100000x128xf32, #tpu.memory_space<hbm>>
        tpu.enqueue_indirect_dma source(%dma_start3A_198 : memref<100000x128xf32, #tpu.memory_space<hbm>>) target(%dma_start3A_194 : memref<64x128xf32, #tpu.memory_space<vmem>>) offsets(%dma_start3A_195 : memref<64xi32, #tpu.memory_space<vmem>>) semaphore(%arg16 : memref<!tpu.dma_semaphore, #tpu.memory_space<semaphore_mem>>)
        %dma_start3A_199 = arith.constant 0 : i32
        %dma_start3A_200 = arith.constant 128 : i32
        %dma_start3A_201 = tpu.memref_slice %arg12[%dma_start3A_199, %dma_start3A_200] : memref<64x300xf32, #tpu.memory_space<vmem>> -> memref<64x128xf32, #tpu.memory_space<vmem>>
        %dma_start3A_202 = tpu.memref_slice %arg10[%mul3A_191] : memref<512xi32, #tpu.memory_space<vmem>> -> memref<64xi32, #tpu.memory_space<vmem>>
        %dma_start3A_203 = arith.constant 0 : i32
        %dma_start3A_204 = arith.constant 128 : i32
        %dma_start3A_205 = tpu.memref_slice %arg2[%dma_start3A_203, %dma_start3A_204] : memref<100000x300xf32, #tpu.memory_space<hbm>> -> memref<100000x128xf32, #tpu.memory_space<hbm>>
        tpu.enqueue_indirect_dma source(%dma_start3A_205 : memref<100000x128xf32, #tpu.memory_space<hbm>>) target(%dma_start3A_201 : memref<64x128xf32, #tpu.memory_space<vmem>>) offsets(%dma_start3A_202 : memref<64xi32, #tpu.memory_space<vmem>>) semaphore(%arg16 : memref<!tpu.dma_semaphore, #tpu.memory_space<semaphore_mem>>)
        %dma_start3A_206 = tpu.memref_slice %arg10[%mul3A_191] : memref<512xi32, #tpu.memory_space<vmem>> -> memref<64xi32, #tpu.memory_space<vmem>>
        %dma_start3A_207 = arith.constant 0 : i32
        %dma_start3A_208 = arith.constant 0 : i32
        %dma_start3A_209 = tpu.memref_slice %arg3[%dma_start3A_207, %dma_start3A_208] : memref<100000x128xf32, #tpu.memory_space<hbm>> -> memref<100000x128xf32, #tpu.memory_space<hbm>>
        tpu.enqueue_indirect_dma source(%dma_start3A_209 : memref<100000x128xf32, #tpu.memory_space<hbm>>) target(%arg14 : memref<64x128xf32, #tpu.memory_space<vmem>>) offsets(%dma_start3A_206 : memref<64xi32, #tpu.memory_space<vmem>>) semaphore(%arg16 : memref<!tpu.dma_semaphore, #tpu.memory_space<semaphore_mem>>)
      } else {
      }
      %mul3A_113 = arith.constant 64 : i32
      %mul3A_114 = arith.muli %add3A_108, %mul3A_113 : i32
      %dma_wait3A_115 = arith.constant 0 : i32
      %dma_wait3A_116 = arith.constant 0 : i32
      %dma_wait3A_117 = tpu.memref_slice %arg11[%dma_wait3A_115, %dma_wait3A_116] : memref<64x300xf32, #tpu.memory_space<vmem>> -> memref<64x128xf32, #tpu.memory_space<vmem>>
      %dma_wait3A_118 = tpu.memref_slice %arg10[%mul3A_114] : memref<512xi32, #tpu.memory_space<vmem>> -> memref<64xi32, #tpu.memory_space<vmem>>
      %dma_wait3A_119 = arith.constant 0 : i32
      %dma_wait3A_120 = arith.constant 0 : i32
      %dma_wait3A_121 = tpu.memref_slice %arg2[%dma_wait3A_119, %dma_wait3A_120] : memref<100000x300xf32, #tpu.memory_space<hbm>> -> memref<100000x128xf32, #tpu.memory_space<hbm>>
      tpu.wait_indirect_dma semaphore(%arg15 : memref<!tpu.dma_semaphore, #tpu.memory_space<semaphore_mem>>) src(%dma_wait3A_121 : memref<100000x128xf32, #tpu.memory_space<hbm>>) dst(%dma_wait3A_117 : memref<64x128xf32, #tpu.memory_space<vmem>>)
      %dma_wait3A_122 = arith.constant 0 : i32
      %dma_wait3A_123 = arith.constant 128 : i32
      %dma_wait3A_124 = tpu.memref_slice %arg11[%dma_wait3A_122, %dma_wait3A_123] : memref<64x300xf32, #tpu.memory_space<vmem>> -> memref<64x128xf32, #tpu.memory_space<vmem>>
      %dma_wait3A_125 = tpu.memref_slice %arg10[%mul3A_114] : memref<512xi32, #tpu.memory_space<vmem>> -> memref<64xi32, #tpu.memory_space<vmem>>
      %dma_wait3A_126 = arith.constant 0 : i32
      %dma_wait3A_127 = arith.constant 128 : i32
      %dma_wait3A_128 = tpu.memref_slice %arg2[%dma_wait3A_126, %dma_wait3A_127] : memref<100000x300xf32, #tpu.memory_space<hbm>> -> memref<100000x128xf32, #tpu.memory_space<hbm>>
      tpu.wait_indirect_dma semaphore(%arg15 : memref<!tpu.dma_semaphore, #tpu.memory_space<semaphore_mem>>) src(%dma_wait3A_128 : memref<100000x128xf32, #tpu.memory_space<hbm>>) dst(%dma_wait3A_124 : memref<64x128xf32, #tpu.memory_space<vmem>>)
      %dma_wait3A_129 = tpu.memref_slice %arg10[%mul3A_114] : memref<512xi32, #tpu.memory_space<vmem>> -> memref<64xi32, #tpu.memory_space<vmem>>
      %dma_wait3A_130 = arith.constant 0 : i32
      %dma_wait3A_131 = arith.constant 0 : i32
      %dma_wait3A_132 = tpu.memref_slice %arg3[%dma_wait3A_130, %dma_wait3A_131] : memref<100000x128xf32, #tpu.memory_space<hbm>> -> memref<100000x128xf32, #tpu.memory_space<hbm>>
      tpu.wait_indirect_dma semaphore(%arg15 : memref<!tpu.dma_semaphore, #tpu.memory_space<semaphore_mem>>) src(%dma_wait3A_132 : memref<100000x128xf32, #tpu.memory_space<hbm>>) dst(%arg13 : memref<64x128xf32, #tpu.memory_space<vmem>>)
      %scan3A_133 = arith.constant 0 : i32
      %scan3A_134 = arith.constant 64 : i32
      %scan3A_135 = arith.addi %scan3A_133, %scan3A_134 : i32
      %scan3A_136 = arith.constant 1 : i32
      scf.for %scan3A_186 = %scan3A_133 to %scan3A_135 step %scan3A_136  : i32 {
        %mul3A_187 = arith.constant 1 : i32
        %mul3A_188 = arith.muli %scan3A_186, %mul3A_187 : i32
        %add3A_189 = arith.constant 0 : i32
        %add3A_190 = arith.addi %add3A_189, %mul3A_188 : i32
        %get3A = arith.index_cast %add3A_190 : i32 to index
        %get3A_191 = arith.constant 84 : index
        %get3A_192 = tpu.vector_load %arg13[%get3A, %get3A_191] {strides = array<i32>} : memref<64x128xf32, #tpu.memory_space<vmem>>, vector<16xf32>,
        %swap3A = arith.index_cast %add3A_190 : i32 to index
        %swap3A_193 = arith.constant 256 : index
        %swap3A_194 = tpu.vector_load %arg11[%swap3A, %swap3A_193] {strides = array<i32>} : memref<64x300xf32, #tpu.memory_space<vmem>>, vector<16xf32>,
        tpu.vector_store %arg11[%swap3A, %swap3A_193], %get3A_192 {strides = array<i32>} : memref<64x300xf32, #tpu.memory_space<vmem>>, vector<16xf32>,
        %get3A_195 = arith.index_cast %add3A_190 : i32 to index
        %get3A_196 = arith.constant 100 : index
        %get3A_197 = tpu.vector_load %arg13[%get3A_195, %get3A_196] {strides = array<i32>} : memref<64x128xf32, #tpu.memory_space<vmem>>, vector<16xf32>,
        %swap3A_198 = arith.index_cast %add3A_190 : i32 to index
        %swap3A_199 = arith.constant 272 : index
        %swap3A_200 = tpu.vector_load %arg11[%swap3A_198, %swap3A_199] {strides = array<i32>} : memref<64x300xf32, #tpu.memory_space<vmem>>, vector<16xf32>,
        tpu.vector_store %arg11[%swap3A_198, %swap3A_199], %get3A_197 {strides = array<i32>} : memref<64x300xf32, #tpu.memory_space<vmem>>, vector<16xf32>,
        %get3A_201 = arith.index_cast %add3A_190 : i32 to index
        %get3A_202 = arith.constant 112 : index
        %get3A_203 = tpu.vector_load %arg13[%get3A_201, %get3A_202] {strides = array<i32>} : memref<64x128xf32, #tpu.memory_space<vmem>>, vector<16xf32>,
        %swap3A_204 = arith.index_cast %add3A_190 : i32 to index
        %swap3A_205 = arith.constant 284 : index
        %swap3A_206 = tpu.vector_load %arg11[%swap3A_204, %swap3A_205] {strides = array<i32>} : memref<64x300xf32, #tpu.memory_space<vmem>>, vector<16xf32>,
        tpu.vector_store %arg11[%swap3A_204, %swap3A_205], %get3A_203 {strides = array<i32>} : memref<64x300xf32, #tpu.memory_space<vmem>>, vector<16xf32>,
      }
      %scan3A_137 = arith.constant 64 : i32
      %mul3A_138 = arith.constant 64 : i32
      %mul3A_139 = arith.muli %add3A_108, %mul3A_138 : i32
      %add3A_140 = arith.addi %mul3A_2, %mul3A_139 : i32
      %dma_start3A_141 = arith.constant 0 : i32
      %dma_start3A_142 = tpu.memref_slice %arg7[%add3A_140, %dma_start3A_141] : memref<16384x300xf32, #tpu.memory_space<hbm>> -> memref<64x300xf32, #tpu.memory_space<hbm>>
      %dma_start3A_143 = arith.constant 0 : i32
      %dma_start3A_144 = tpu.memref_slice %arg7[%add3A_140, %dma_start3A_143] : memref<16384x300xf32, #tpu.memory_space<hbm>> -> memref<64x300xf32, #tpu.memory_space<hbm>>
      tpu.enqueue_dma source(%arg11 : memref<64x300xf32, #tpu.memory_space<vmem>>) target(%dma_start3A_144 : memref<64x300xf32, #tpu.memory_space<hbm>>) target_semaphore(%arg17 : memref<!tpu.dma_semaphore, #tpu.memory_space<semaphore_mem>>)
      %add3A_145 = arith.constant 1 : i32
      %add3A_146 = arith.addi %add3A_106, %add3A_145 : i32
      %add3A_147 = arith.constant 1 : i32
      %add3A_148 = arith.addi %add3A_146, %add3A_147 : i32
      %lt3A_149 = arith.constant 8 : i32
      %lt3A_150 = arith.cmpi slt, %add3A_148, %lt3A_149 : i32
      %convert_element_type3A_151 = arith.extui %lt3A_150 : i1 to i32
      %cond3A_152 = arith.constant 0 : i32
      %cond3A_153 = arith.cmpi ne, %convert_element_type3A_151, %cond3A_152 : i32
      scf.if %cond3A_153 {
        %ge3A = arith.constant 2 : i32
        %ge3A_186 = arith.cmpi sge, %add3A_148, %ge3A : i32
        %convert_element_type3A_187 = arith.extui %ge3A_186 : i1 to i32
        %cond3A_188 = arith.constant 0 : i32
        %cond3A_189 = arith.cmpi ne, %convert_element_type3A_187, %cond3A_188 : i32
        scf.if %cond3A_189 {
          %dma_wait3A_210 = arith.constant 0 : i32
          %dma_wait3A_211 = tpu.memref_slice %arg7[%mul3A_2, %dma_wait3A_210] : memref<16384x300xf32, #tpu.memory_space<hbm>> -> memref<64x300xf32, #tpu.memory_space<hbm>>
          %dma_wait3A_212 = arith.constant 0 : i32
          %dma_wait3A_213 = tpu.memref_slice %arg7[%mul3A_2, %dma_wait3A_212] : memref<16384x300xf32, #tpu.memory_space<hbm>> -> memref<64x300xf32, #tpu.memory_space<hbm>>
          tpu.wait_dma2 semaphore(%arg17 : memref<!tpu.dma_semaphore, #tpu.memory_space<semaphore_mem>>) src(%arg11 : memref<64x300xf32, #tpu.memory_space<vmem>>) dst(%dma_wait3A_213 : memref<64x300xf32, #tpu.memory_space<hbm>>)
        } else {
        }
        %mul3A_190 = arith.constant 64 : i32
        %mul3A_191 = arith.muli %add3A_148, %mul3A_190 : i32
        %dma_start3A_192 = arith.constant 0 : i32
        %dma_start3A_193 = arith.constant 0 : i32
        %dma_start3A_194 = tpu.memref_slice %arg11[%dma_start3A_192, %dma_start3A_193] : memref<64x300xf32, #tpu.memory_space<vmem>> -> memref<64x128xf32, #tpu.memory_space<vmem>>
        %dma_start3A_195 = tpu.memref_slice %arg10[%mul3A_191] : memref<512xi32, #tpu.memory_space<vmem>> -> memref<64xi32, #tpu.memory_space<vmem>>
        %dma_start3A_196 = arith.constant 0 : i32
        %dma_start3A_197 = arith.constant 0 : i32
        %dma_start3A_198 = tpu.memref_slice %arg2[%dma_start3A_196, %dma_start3A_197] : memref<100000x300xf32, #tpu.memory_space<hbm>> -> memref<100000x128xf32, #tpu.memory_space<hbm>>
        tpu.enqueue_indirect_dma source(%dma_start3A_198 : memref<100000x128xf32, #tpu.memory_space<hbm>>) target(%dma_start3A_194 : memref<64x128xf32, #tpu.memory_space<vmem>>) offsets(%dma_start3A_195 : memref<64xi32, #tpu.memory_space<vmem>>) semaphore(%arg15 : memref<!tpu.dma_semaphore, #tpu.memory_space<semaphore_mem>>)
        %dma_start3A_199 = arith.constant 0 : i32
        %dma_start3A_200 = arith.constant 128 : i32
        %dma_start3A_201 = tpu.memref_slice %arg11[%dma_start3A_199, %dma_start3A_200] : memref<64x300xf32, #tpu.memory_space<vmem>> -> memref<64x128xf32, #tpu.memory_space<vmem>>
        %dma_start3A_202 = tpu.memref_slice %arg10[%mul3A_191] : memref<512xi32, #tpu.memory_space<vmem>> -> memref<64xi32, #tpu.memory_space<vmem>>
        %dma_start3A_203 = arith.constant 0 : i32
        %dma_start3A_204 = arith.constant 128 : i32
        %dma_start3A_205 = tpu.memref_slice %arg2[%dma_start3A_203, %dma_start3A_204] : memref<100000x300xf32, #tpu.memory_space<hbm>> -> memref<100000x128xf32, #tpu.memory_space<hbm>>
        tpu.enqueue_indirect_dma source(%dma_start3A_205 : memref<100000x128xf32, #tpu.memory_space<hbm>>) target(%dma_start3A_201 : memref<64x128xf32, #tpu.memory_space<vmem>>) offsets(%dma_start3A_202 : memref<64xi32, #tpu.memory_space<vmem>>) semaphore(%arg15 : memref<!tpu.dma_semaphore, #tpu.memory_space<semaphore_mem>>)
        %dma_start3A_206 = tpu.memref_slice %arg10[%mul3A_191] : memref<512xi32, #tpu.memory_space<vmem>> -> memref<64xi32, #tpu.memory_space<vmem>>
        %dma_start3A_207 = arith.constant 0 : i32
        %dma_start3A_208 = arith.constant 0 : i32
        %dma_start3A_209 = tpu.memref_slice %arg3[%dma_start3A_207, %dma_start3A_208] : memref<100000x128xf32, #tpu.memory_space<hbm>> -> memref<100000x128xf32, #tpu.memory_space<hbm>>
        tpu.enqueue_indirect_dma source(%dma_start3A_209 : memref<100000x128xf32, #tpu.memory_space<hbm>>) target(%arg13 : memref<64x128xf32, #tpu.memory_space<vmem>>) offsets(%dma_start3A_206 : memref<64xi32, #tpu.memory_space<vmem>>) semaphore(%arg15 : memref<!tpu.dma_semaphore, #tpu.memory_space<semaphore_mem>>)
      } else {
      }
      %mul3A_154 = arith.constant 64 : i32
      %mul3A_155 = arith.muli %add3A_146, %mul3A_154 : i32
      %dma_wait3A_156 = arith.constant 0 : i32
      %dma_wait3A_157 = arith.constant 0 : i32
      %dma_wait3A_158 = tpu.memref_slice %arg12[%dma_wait3A_156, %dma_wait3A_157] : memref<64x300xf32, #tpu.memory_space<vmem>> -> memref<64x128xf32, #tpu.memory_space<vmem>>
      %dma_wait3A_159 = tpu.memref_slice %arg10[%mul3A_155] : memref<512xi32, #tpu.memory_space<vmem>> -> memref<64xi32, #tpu.memory_space<vmem>>
      %dma_wait3A_160 = arith.constant 0 : i32
      %dma_wait3A_161 = arith.constant 0 : i32
      %dma_wait3A_162 = tpu.memref_slice %arg2[%dma_wait3A_160, %dma_wait3A_161] : memref<100000x300xf32, #tpu.memory_space<hbm>> -> memref<100000x128xf32, #tpu.memory_space<hbm>>
      tpu.wait_indirect_dma semaphore(%arg16 : memref<!tpu.dma_semaphore, #tpu.memory_space<semaphore_mem>>) src(%dma_wait3A_162 : memref<100000x128xf32, #tpu.memory_space<hbm>>) dst(%dma_wait3A_158 : memref<64x128xf32, #tpu.memory_space<vmem>>)
      %dma_wait3A_163 = arith.constant 0 : i32
      %dma_wait3A_164 = arith.constant 128 : i32
      %dma_wait3A_165 = tpu.memref_slice %arg12[%dma_wait3A_163, %dma_wait3A_164] : memref<64x300xf32, #tpu.memory_space<vmem>> -> memref<64x128xf32, #tpu.memory_space<vmem>>
      %dma_wait3A_166 = tpu.memref_slice %arg10[%mul3A_155] : memref<512xi32, #tpu.memory_space<vmem>> -> memref<64xi32, #tpu.memory_space<vmem>>
      %dma_wait3A_167 = arith.constant 0 : i32
      %dma_wait3A_168 = arith.constant 128 : i32
      %dma_wait3A_169 = tpu.memref_slice %arg2[%dma_wait3A_167, %dma_wait3A_168] : memref<100000x300xf32, #tpu.memory_space<hbm>> -> memref<100000x128xf32, #tpu.memory_space<hbm>>
      tpu.wait_indirect_dma semaphore(%arg16 : memref<!tpu.dma_semaphore, #tpu.memory_space<semaphore_mem>>) src(%dma_wait3A_169 : memref<100000x128xf32, #tpu.memory_space<hbm>>) dst(%dma_wait3A_165 : memref<64x128xf32, #tpu.memory_space<vmem>>)
      %dma_wait3A_170 = tpu.memref_slice %arg10[%mul3A_155] : memref<512xi32, #tpu.memory_space<vmem>> -> memref<64xi32, #tpu.memory_space<vmem>>
      %dma_wait3A_171 = arith.constant 0 : i32
      %dma_wait3A_172 = arith.constant 0 : i32
      %dma_wait3A_173 = tpu.memref_slice %arg3[%dma_wait3A_171, %dma_wait3A_172] : memref<100000x128xf32, #tpu.memory_space<hbm>> -> memref<100000x128xf32, #tpu.memory_space<hbm>>
      tpu.wait_indirect_dma semaphore(%arg16 : memref<!tpu.dma_semaphore, #tpu.memory_space<semaphore_mem>>) src(%dma_wait3A_173 : memref<100000x128xf32, #tpu.memory_space<hbm>>) dst(%arg14 : memref<64x128xf32, #tpu.memory_space<vmem>>)
      %scan3A_174 = arith.constant 0 : i32
      %scan3A_175 = arith.constant 64 : i32
      %scan3A_176 = arith.addi %scan3A_174, %scan3A_175 : i32
      %scan3A_177 = arith.constant 1 : i32
      scf.for %scan3A_186 = %scan3A_174 to %scan3A_176 step %scan3A_177  : i32 {
        %mul3A_187 = arith.constant 1 : i32
        %mul3A_188 = arith.muli %scan3A_186, %mul3A_187 : i32
        %add3A_189 = arith.constant 0 : i32
        %add3A_190 = arith.addi %add3A_189, %mul3A_188 : i32
        %get3A = arith.index_cast %add3A_190 : i32 to index
        %get3A_191 = arith.constant 84 : index
        %get3A_192 = tpu.vector_load %arg14[%get3A, %get3A_191] {strides = array<i32>} : memref<64x128xf32, #tpu.memory_space<vmem>>, vector<16xf32>,
        %swap3A = arith.index_cast %add3A_190 : i32 to index
        %swap3A_193 = arith.constant 256 : index
        %swap3A_194 = tpu.vector_load %arg12[%swap3A, %swap3A_193] {strides = array<i32>} : memref<64x300xf32, #tpu.memory_space<vmem>>, vector<16xf32>,
        tpu.vector_store %arg12[%swap3A, %swap3A_193], %get3A_192 {strides = array<i32>} : memref<64x300xf32, #tpu.memory_space<vmem>>, vector<16xf32>,
        %get3A_195 = arith.index_cast %add3A_190 : i32 to index
        %get3A_196 = arith.constant 100 : index
        %get3A_197 = tpu.vector_load %arg14[%get3A_195, %get3A_196] {strides = array<i32>} : memref<64x128xf32, #tpu.memory_space<vmem>>, vector<16xf32>,
        %swap3A_198 = arith.index_cast %add3A_190 : i32 to index
        %swap3A_199 = arith.constant 272 : index
        %swap3A_200 = tpu.vector_load %arg12[%swap3A_198, %swap3A_199] {strides = array<i32>} : memref<64x300xf32, #tpu.memory_space<vmem>>, vector<16xf32>,
        tpu.vector_store %arg12[%swap3A_198, %swap3A_199], %get3A_197 {strides = array<i32>} : memref<64x300xf32, #tpu.memory_space<vmem>>, vector<16xf32>,
        %get3A_201 = arith.index_cast %add3A_190 : i32 to index
        %get3A_202 = arith.constant 112 : index
        %get3A_203 = tpu.vector_load %arg14[%get3A_201, %get3A_202] {strides = array<i32>} : memref<64x128xf32, #tpu.memory_space<vmem>>, vector<16xf32>,
        %swap3A_204 = arith.index_cast %add3A_190 : i32 to index
        %swap3A_205 = arith.constant 284 : index
        %swap3A_206 = tpu.vector_load %arg12[%swap3A_204, %swap3A_205] {strides = array<i32>} : memref<64x300xf32, #tpu.memory_space<vmem>>, vector<16xf32>,
        tpu.vector_store %arg12[%swap3A_204, %swap3A_205], %get3A_203 {strides = array<i32>} : memref<64x300xf32, #tpu.memory_space<vmem>>, vector<16xf32>,
      }
      %scan3A_178 = arith.constant 64 : i32
      %mul3A_179 = arith.constant 64 : i32
      %mul3A_180 = arith.muli %add3A_146, %mul3A_179 : i32
      %add3A_181 = arith.addi %mul3A_2, %mul3A_180 : i32
      %dma_start3A_182 = arith.constant 0 : i32
      %dma_start3A_183 = tpu.memref_slice %arg7[%add3A_181, %dma_start3A_182] : memref<16384x300xf32, #tpu.memory_space<hbm>> -> memref<64x300xf32, #tpu.memory_space<hbm>>
      %dma_start3A_184 = arith.constant 0 : i32
      %dma_start3A_185 = tpu.memref_slice %arg7[%add3A_181, %dma_start3A_184] : memref<16384x300xf32, #tpu.memory_space<hbm>> -> memref<64x300xf32, #tpu.memory_space<hbm>>
      tpu.enqueue_dma source(%arg12 : memref<64x300xf32, #tpu.memory_space<vmem>>) target(%dma_start3A_185 : memref<64x300xf32, #tpu.memory_space<hbm>>) target_semaphore(%arg18 : memref<!tpu.dma_semaphore, #tpu.memory_space<semaphore_mem>>)
    }
    %scan3A_26 = arith.constant 4 : i32
    %dma_wait3A = arith.constant 0 : i32
    %dma_wait3A_27 = tpu.memref_slice %arg7[%mul3A_2, %dma_wait3A] : memref<16384x300xf32, #tpu.memory_space<hbm>> -> memref<64x300xf32, #tpu.memory_space<hbm>>
    %dma_wait3A_28 = arith.constant 0 : i32
    %dma_wait3A_29 = tpu.memref_slice %arg7[%mul3A_2, %dma_wait3A_28] : memref<16384x300xf32, #tpu.memory_space<hbm>> -> memref<64x300xf32, #tpu.memory_space<hbm>>
    tpu.wait_dma2 semaphore(%arg17 : memref<!tpu.dma_semaphore, #tpu.memory_space<semaphore_mem>>) src(%arg11 : memref<64x300xf32, #tpu.memory_space<vmem>>) dst(%dma_wait3A_29 : memref<64x300xf32, #tpu.memory_space<hbm>>)
    %dma_wait3A_30 = arith.constant 0 : i32
    %dma_wait3A_31 = tpu.memref_slice %arg7[%mul3A_2, %dma_wait3A_30] : memref<16384x300xf32, #tpu.memory_space<hbm>> -> memref<64x300xf32, #tpu.memory_space<hbm>>
    %dma_wait3A_32 = arith.constant 0 : i32
    %dma_wait3A_33 = tpu.memref_slice %arg7[%mul3A_2, %dma_wait3A_32] : memref<16384x300xf32, #tpu.memory_space<hbm>> -> memref<64x300xf32, #tpu.memory_space<hbm>>
    tpu.wait_dma2 semaphore(%arg18 : memref<!tpu.dma_semaphore, #tpu.memory_space<semaphore_mem>>) src(%arg12 : memref<64x300xf32, #tpu.memory_space<vmem>>) dst(%dma_wait3A_33 : memref<64x300xf32, #tpu.memory_space<hbm>>)
    "tpu.region"() ({
      %run_scoped3A = tpu.sem_alloc : memref<!tpu.dma_semaphore, #tpu.memory_space<semaphore_mem>>
      %dma_start3A_102 = tpu.memref_slice %arg5[%mul3A_2] : memref<16384xi32, #tpu.memory_space<hbm>> -> memref<512xi32, #tpu.memory_space<hbm>>
      %dma_start3A_103 = tpu.memref_slice %arg5[%mul3A_2] : memref<16384xi32, #tpu.memory_space<hbm>> -> memref<512xi32, #tpu.memory_space<hbm>>
      tpu.enqueue_dma source(%dma_start3A_103 : memref<512xi32, #tpu.memory_space<hbm>>) target(%arg10 : memref<512xi32, #tpu.memory_space<vmem>>) target_semaphore(%run_scoped3A : memref<!tpu.dma_semaphore, #tpu.memory_space<semaphore_mem>>)
      %dma_wait3A_104 = tpu.memref_slice %arg5[%mul3A_2] : memref<16384xi32, #tpu.memory_space<hbm>> -> memref<512xi32, #tpu.memory_space<hbm>>
      %dma_wait3A_105 = tpu.memref_slice %arg5[%mul3A_2] : memref<16384xi32, #tpu.memory_space<hbm>> -> memref<512xi32, #tpu.memory_space<hbm>>
      tpu.wait_dma2 semaphore(%run_scoped3A : memref<!tpu.dma_semaphore, #tpu.memory_space<semaphore_mem>>) src(%dma_wait3A_105 : memref<512xi32, #tpu.memory_space<hbm>>) dst(%arg10 : memref<512xi32, #tpu.memory_space<vmem>>)
      tpu.yield
    }) : () -> ()
    %dma_start3A_34 = arith.constant 0 : i32
    %dma_start3A_35 = arith.constant 0 : i32
    %dma_start3A_36 = tpu.memref_slice %arg11[%dma_start3A_34, %dma_start3A_35] : memref<64x300xf32, #tpu.memory_space<vmem>> -> memref<64x128xf32, #tpu.memory_space<vmem>>
    %dma_start3A_37 = arith.constant 0 : i32
    %dma_start3A_38 = tpu.memref_slice %arg10[%dma_start3A_37] : memref<512xi32, #tpu.memory_space<vmem>> -> memref<64xi32, #tpu.memory_space<vmem>>
    %dma_start3A_39 = arith.constant 0 : i32
    %dma_start3A_40 = arith.constant 0 : i32
    %dma_start3A_41 = tpu.memref_slice %arg2[%dma_start3A_39, %dma_start3A_40] : memref<100000x300xf32, #tpu.memory_space<hbm>> -> memref<100000x128xf32, #tpu.memory_space<hbm>>
    tpu.enqueue_indirect_dma source(%dma_start3A_41 : memref<100000x128xf32, #tpu.memory_space<hbm>>) target(%dma_start3A_36 : memref<64x128xf32, #tpu.memory_space<vmem>>) offsets(%dma_start3A_38 : memref<64xi32, #tpu.memory_space<vmem>>) semaphore(%arg15 : memref<!tpu.dma_semaphore, #tpu.memory_space<semaphore_mem>>)
    %dma_start3A_42 = arith.constant 0 : i32
    %dma_start3A_43 = arith.constant 128 : i32
    %dma_start3A_44 = tpu.memref_slice %arg11[%dma_start3A_42, %dma_start3A_43] : memref<64x300xf32, #tpu.memory_space<vmem>> -> memref<64x128xf32, #tpu.memory_space<vmem>>
    %dma_start3A_45 = arith.constant 0 : i32
    %dma_start3A_46 = tpu.memref_slice %arg10[%dma_start3A_45] : memref<512xi32, #tpu.memory_space<vmem>> -> memref<64xi32, #tpu.memory_space<vmem>>
    %dma_start3A_47 = arith.constant 0 : i32
    %dma_start3A_48 = arith.constant 128 : i32
    %dma_start3A_49 = tpu.memref_slice %arg2[%dma_start3A_47, %dma_start3A_48] : memref<100000x300xf32, #tpu.memory_space<hbm>> -> memref<100000x128xf32, #tpu.memory_space<hbm>>
    tpu.enqueue_indirect_dma source(%dma_start3A_49 : memref<100000x128xf32, #tpu.memory_space<hbm>>) target(%dma_start3A_44 : memref<64x128xf32, #tpu.memory_space<vmem>>) offsets(%dma_start3A_46 : memref<64xi32, #tpu.memory_space<vmem>>) semaphore(%arg15 : memref<!tpu.dma_semaphore, #tpu.memory_space<semaphore_mem>>)
    %dma_start3A_50 = arith.constant 0 : i32
    %dma_start3A_51 = tpu.memref_slice %arg10[%dma_start3A_50] : memref<512xi32, #tpu.memory_space<vmem>> -> memref<64xi32, #tpu.memory_space<vmem>>
    %dma_start3A_52 = arith.constant 0 : i32
    %dma_start3A_53 = arith.constant 0 : i32
    %dma_start3A_54 = tpu.memref_slice %arg3[%dma_start3A_52, %dma_start3A_53] : memref<100000x128xf32, #tpu.memory_space<hbm>> -> memref<100000x128xf32, #tpu.memory_space<hbm>>
    tpu.enqueue_indirect_dma source(%dma_start3A_54 : memref<100000x128xf32, #tpu.memory_space<hbm>>) target(%arg13 : memref<64x128xf32, #tpu.memory_space<vmem>>) offsets(%dma_start3A_51 : memref<64xi32, #tpu.memory_space<vmem>>) semaphore(%arg15 : memref<!tpu.dma_semaphore, #tpu.memory_space<semaphore_mem>>)
    %scan3A_55 = arith.constant 0 : i32
    %scan3A_56 = arith.constant 4 : i32
    %scan3A_57 = arith.addi %scan3A_55, %scan3A_56 : i32
    %scan3A_58 = arith.constant 1 : i32
    scf.for %scan3A_102 = %scan3A_55 to %scan3A_57 step %scan3A_58  : i32 {
      %mul3A_103 = arith.constant 2 : i32
      %mul3A_104 = arith.muli %scan3A_102, %mul3A_103 : i32
      %add3A_105 = arith.constant 0 : i32
      %add3A_106 = arith.addi %add3A_105, %mul3A_104 : i32
      %add3A_107 = arith.constant 0 : i32
      %add3A_108 = arith.addi %add3A_106, %add3A_107 : i32
      %add3A_109 = arith.constant 1 : i32
      %add3A_110 = arith.addi %add3A_108, %add3A_109 : i32
      %lt3A = arith.constant 8 : i32
      %lt3A_111 = arith.cmpi slt, %add3A_110, %lt3A : i32
      %convert_element_type3A = arith.extui %lt3A_111 : i1 to i32
      %cond3A = arith.constant 0 : i32
      %cond3A_112 = arith.cmpi ne, %convert_element_type3A, %cond3A : i32
      scf.if %cond3A_112 {
        %ge3A = arith.constant 2 : i32
        %ge3A_186 = arith.cmpi sge, %add3A_110, %ge3A : i32
        %convert_element_type3A_187 = arith.extui %ge3A_186 : i1 to i32
        %cond3A_188 = arith.constant 0 : i32
        %cond3A_189 = arith.cmpi ne, %convert_element_type3A_187, %cond3A_188 : i32
        scf.if %cond3A_189 {
          %dma_wait3A_210 = arith.constant 0 : i32
          %dma_wait3A_211 = tpu.memref_slice %arg8[%mul3A_2, %dma_wait3A_210] : memref<16384x300xf32, #tpu.memory_space<hbm>> -> memref<64x300xf32, #tpu.memory_space<hbm>>
          %dma_wait3A_212 = arith.constant 0 : i32
          %dma_wait3A_213 = tpu.memref_slice %arg8[%mul3A_2, %dma_wait3A_212] : memref<16384x300xf32, #tpu.memory_space<hbm>> -> memref<64x300xf32, #tpu.memory_space<hbm>>
          tpu.wait_dma2 semaphore(%arg18 : memref<!tpu.dma_semaphore, #tpu.memory_space<semaphore_mem>>) src(%arg12 : memref<64x300xf32, #tpu.memory_space<vmem>>) dst(%dma_wait3A_213 : memref<64x300xf32, #tpu.memory_space<hbm>>)
        } else {
        }
        %mul3A_190 = arith.constant 64 : i32
        %mul3A_191 = arith.muli %add3A_110, %mul3A_190 : i32
        %dma_start3A_192 = arith.constant 0 : i32
        %dma_start3A_193 = arith.constant 0 : i32
        %dma_start3A_194 = tpu.memref_slice %arg12[%dma_start3A_192, %dma_start3A_193] : memref<64x300xf32, #tpu.memory_space<vmem>> -> memref<64x128xf32, #tpu.memory_space<vmem>>
        %dma_start3A_195 = tpu.memref_slice %arg10[%mul3A_191] : memref<512xi32, #tpu.memory_space<vmem>> -> memref<64xi32, #tpu.memory_space<vmem>>
        %dma_start3A_196 = arith.constant 0 : i32
        %dma_start3A_197 = arith.constant 0 : i32
        %dma_start3A_198 = tpu.memref_slice %arg2[%dma_start3A_196, %dma_start3A_197] : memref<100000x300xf32, #tpu.memory_space<hbm>> -> memref<100000x128xf32, #tpu.memory_space<hbm>>
        tpu.enqueue_indirect_dma source(%dma_start3A_198 : memref<100000x128xf32, #tpu.memory_space<hbm>>) target(%dma_start3A_194 : memref<64x128xf32, #tpu.memory_space<vmem>>) offsets(%dma_start3A_195 : memref<64xi32, #tpu.memory_space<vmem>>) semaphore(%arg16 : memref<!tpu.dma_semaphore, #tpu.memory_space<semaphore_mem>>)
        %dma_start3A_199 = arith.constant 0 : i32
        %dma_start3A_200 = arith.constant 128 : i32
        %dma_start3A_201 = tpu.memref_slice %arg12[%dma_start3A_199, %dma_start3A_200] : memref<64x300xf32, #tpu.memory_space<vmem>> -> memref<64x128xf32, #tpu.memory_space<vmem>>
        %dma_start3A_202 = tpu.memref_slice %arg10[%mul3A_191] : memref<512xi32, #tpu.memory_space<vmem>> -> memref<64xi32, #tpu.memory_space<vmem>>
        %dma_start3A_203 = arith.constant 0 : i32
        %dma_start3A_204 = arith.constant 128 : i32
        %dma_start3A_205 = tpu.memref_slice %arg2[%dma_start3A_203, %dma_start3A_204] : memref<100000x300xf32, #tpu.memory_space<hbm>> -> memref<100000x128xf32, #tpu.memory_space<hbm>>
        tpu.enqueue_indirect_dma source(%dma_start3A_205 : memref<100000x128xf32, #tpu.memory_space<hbm>>) target(%dma_start3A_201 : memref<64x128xf32, #tpu.memory_space<vmem>>) offsets(%dma_start3A_202 : memref<64xi32, #tpu.memory_space<vmem>>) semaphore(%arg16 : memref<!tpu.dma_semaphore, #tpu.memory_space<semaphore_mem>>)
        %dma_start3A_206 = tpu.memref_slice %arg10[%mul3A_191] : memref<512xi32, #tpu.memory_space<vmem>> -> memref<64xi32, #tpu.memory_space<vmem>>
        %dma_start3A_207 = arith.constant 0 : i32
        %dma_start3A_208 = arith.constant 0 : i32
        %dma_start3A_209 = tpu.memref_slice %arg3[%dma_start3A_207, %dma_start3A_208] : memref<100000x128xf32, #tpu.memory_space<hbm>> -> memref<100000x128xf32, #tpu.memory_space<hbm>>
        tpu.enqueue_indirect_dma source(%dma_start3A_209 : memref<100000x128xf32, #tpu.memory_space<hbm>>) target(%arg14 : memref<64x128xf32, #tpu.memory_space<vmem>>) offsets(%dma_start3A_206 : memref<64xi32, #tpu.memory_space<vmem>>) semaphore(%arg16 : memref<!tpu.dma_semaphore, #tpu.memory_space<semaphore_mem>>)
      } else {
      }
      %mul3A_113 = arith.constant 64 : i32
      %mul3A_114 = arith.muli %add3A_108, %mul3A_113 : i32
      %dma_wait3A_115 = arith.constant 0 : i32
      %dma_wait3A_116 = arith.constant 0 : i32
      %dma_wait3A_117 = tpu.memref_slice %arg11[%dma_wait3A_115, %dma_wait3A_116] : memref<64x300xf32, #tpu.memory_space<vmem>> -> memref<64x128xf32, #tpu.memory_space<vmem>>
      %dma_wait3A_118 = tpu.memref_slice %arg10[%mul3A_114] : memref<512xi32, #tpu.memory_space<vmem>> -> memref<64xi32, #tpu.memory_space<vmem>>
      %dma_wait3A_119 = arith.constant 0 : i32
      %dma_wait3A_120 = arith.constant 0 : i32
      %dma_wait3A_121 = tpu.memref_slice %arg2[%dma_wait3A_119, %dma_wait3A_120] : memref<100000x300xf32, #tpu.memory_space<hbm>> -> memref<100000x128xf32, #tpu.memory_space<hbm>>
      tpu.wait_indirect_dma semaphore(%arg15 : memref<!tpu.dma_semaphore, #tpu.memory_space<semaphore_mem>>) src(%dma_wait3A_121 : memref<100000x128xf32, #tpu.memory_space<hbm>>) dst(%dma_wait3A_117 : memref<64x128xf32, #tpu.memory_space<vmem>>)
      %dma_wait3A_122 = arith.constant 0 : i32
      %dma_wait3A_123 = arith.constant 128 : i32
      %dma_wait3A_124 = tpu.memref_slice %arg11[%dma_wait3A_122, %dma_wait3A_123] : memref<64x300xf32, #tpu.memory_space<vmem>> -> memref<64x128xf32, #tpu.memory_space<vmem>>
      %dma_wait3A_125 = tpu.memref_slice %arg10[%mul3A_114] : memref<512xi32, #tpu.memory_space<vmem>> -> memref<64xi32, #tpu.memory_space<vmem>>
      %dma_wait3A_126 = arith.constant 0 : i32
      %dma_wait3A_127 = arith.constant 128 : i32
      %dma_wait3A_128 = tpu.memref_slice %arg2[%dma_wait3A_126, %dma_wait3A_127] : memref<100000x300xf32, #tpu.memory_space<hbm>> -> memref<100000x128xf32, #tpu.memory_space<hbm>>
      tpu.wait_indirect_dma semaphore(%arg15 : memref<!tpu.dma_semaphore, #tpu.memory_space<semaphore_mem>>) src(%dma_wait3A_128 : memref<100000x128xf32, #tpu.memory_space<hbm>>) dst(%dma_wait3A_124 : memref<64x128xf32, #tpu.memory_space<vmem>>)
      %dma_wait3A_129 = tpu.memref_slice %arg10[%mul3A_114] : memref<512xi32, #tpu.memory_space<vmem>> -> memref<64xi32, #tpu.memory_space<vmem>>
      %dma_wait3A_130 = arith.constant 0 : i32
      %dma_wait3A_131 = arith.constant 0 : i32
      %dma_wait3A_132 = tpu.memref_slice %arg3[%dma_wait3A_130, %dma_wait3A_131] : memref<100000x128xf32, #tpu.memory_space<hbm>> -> memref<100000x128xf32, #tpu.memory_space<hbm>>
      tpu.wait_indirect_dma semaphore(%arg15 : memref<!tpu.dma_semaphore, #tpu.memory_space<semaphore_mem>>) src(%dma_wait3A_132 : memref<100000x128xf32, #tpu.memory_space<hbm>>) dst(%arg13 : memref<64x128xf32, #tpu.memory_space<vmem>>)
      %scan3A_133 = arith.constant 0 : i32
      %scan3A_134 = arith.constant 64 : i32
      %scan3A_135 = arith.addi %scan3A_133, %scan3A_134 : i32
      %scan3A_136 = arith.constant 1 : i32
      scf.for %scan3A_186 = %scan3A_133 to %scan3A_135 step %scan3A_136  : i32 {
        %mul3A_187 = arith.constant 1 : i32
        %mul3A_188 = arith.muli %scan3A_186, %mul3A_187 : i32
        %add3A_189 = arith.constant 0 : i32
        %add3A_190 = arith.addi %add3A_189, %mul3A_188 : i32
        %get3A = arith.index_cast %add3A_190 : i32 to index
        %get3A_191 = arith.constant 84 : index
        %get3A_192 = tpu.vector_load %arg13[%get3A, %get3A_191] {strides = array<i32>} : memref<64x128xf32, #tpu.memory_space<vmem>>, vector<16xf32>,
        %swap3A = arith.index_cast %add3A_190 : i32 to index
        %swap3A_193 = arith.constant 256 : index
        %swap3A_194 = tpu.vector_load %arg11[%swap3A, %swap3A_193] {strides = array<i32>} : memref<64x300xf32, #tpu.memory_space<vmem>>, vector<16xf32>,
        tpu.vector_store %arg11[%swap3A, %swap3A_193], %get3A_192 {strides = array<i32>} : memref<64x300xf32, #tpu.memory_space<vmem>>, vector<16xf32>,
        %get3A_195 = arith.index_cast %add3A_190 : i32 to index
        %get3A_196 = arith.constant 100 : index
        %get3A_197 = tpu.vector_load %arg13[%get3A_195, %get3A_196] {strides = array<i32>} : memref<64x128xf32, #tpu.memory_space<vmem>>, vector<16xf32>,
        %swap3A_198 = arith.index_cast %add3A_190 : i32 to index
        %swap3A_199 = arith.constant 272 : index
        %swap3A_200 = tpu.vector_load %arg11[%swap3A_198, %swap3A_199] {strides = array<i32>} : memref<64x300xf32, #tpu.memory_space<vmem>>, vector<16xf32>,
        tpu.vector_store %arg11[%swap3A_198, %swap3A_199], %get3A_197 {strides = array<i32>} : memref<64x300xf32, #tpu.memory_space<vmem>>, vector<16xf32>,
        %get3A_201 = arith.index_cast %add3A_190 : i32 to index
        %get3A_202 = arith.constant 112 : index
        %get3A_203 = tpu.vector_load %arg13[%get3A_201, %get3A_202] {strides = array<i32>} : memref<64x128xf32, #tpu.memory_space<vmem>>, vector<16xf32>,
        %swap3A_204 = arith.index_cast %add3A_190 : i32 to index
        %swap3A_205 = arith.constant 284 : index
        %swap3A_206 = tpu.vector_load %arg11[%swap3A_204, %swap3A_205] {strides = array<i32>} : memref<64x300xf32, #tpu.memory_space<vmem>>, vector<16xf32>,
        tpu.vector_store %arg11[%swap3A_204, %swap3A_205], %get3A_203 {strides = array<i32>} : memref<64x300xf32, #tpu.memory_space<vmem>>, vector<16xf32>,
      }
      %scan3A_137 = arith.constant 64 : i32
      %mul3A_138 = arith.constant 64 : i32
      %mul3A_139 = arith.muli %add3A_108, %mul3A_138 : i32
      %add3A_140 = arith.addi %mul3A_2, %mul3A_139 : i32
      %dma_start3A_141 = arith.constant 0 : i32
      %dma_start3A_142 = tpu.memref_slice %arg8[%add3A_140, %dma_start3A_141] : memref<16384x300xf32, #tpu.memory_space<hbm>> -> memref<64x300xf32, #tpu.memory_space<hbm>>
      %dma_start3A_143 = arith.constant 0 : i32
      %dma_start3A_144 = tpu.memref_slice %arg8[%add3A_140, %dma_start3A_143] : memref<16384x300xf32, #tpu.memory_space<hbm>> -> memref<64x300xf32, #tpu.memory_space<hbm>>
      tpu.enqueue_dma source(%arg11 : memref<64x300xf32, #tpu.memory_space<vmem>>) target(%dma_start3A_144 : memref<64x300xf32, #tpu.memory_space<hbm>>) target_semaphore(%arg17 : memref<!tpu.dma_semaphore, #tpu.memory_space<semaphore_mem>>)
      %add3A_145 = arith.constant 1 : i32
      %add3A_146 = arith.addi %add3A_106, %add3A_145 : i32
      %add3A_147 = arith.constant 1 : i32
      %add3A_148 = arith.addi %add3A_146, %add3A_147 : i32
      %lt3A_149 = arith.constant 8 : i32
      %lt3A_150 = arith.cmpi slt, %add3A_148, %lt3A_149 : i32
      %convert_element_type3A_151 = arith.extui %lt3A_150 : i1 to i32
      %cond3A_152 = arith.constant 0 : i32
      %cond3A_153 = arith.cmpi ne, %convert_element_type3A_151, %cond3A_152 : i32
      scf.if %cond3A_153 {
        %ge3A = arith.constant 2 : i32
        %ge3A_186 = arith.cmpi sge, %add3A_148, %ge3A : i32
        %convert_element_type3A_187 = arith.extui %ge3A_186 : i1 to i32
        %cond3A_188 = arith.constant 0 : i32
        %cond3A_189 = arith.cmpi ne, %convert_element_type3A_187, %cond3A_188 : i32
        scf.if %cond3A_189 {
          %dma_wait3A_210 = arith.constant 0 : i32
          %dma_wait3A_211 = tpu.memref_slice %arg8[%mul3A_2, %dma_wait3A_210] : memref<16384x300xf32, #tpu.memory_space<hbm>> -> memref<64x300xf32, #tpu.memory_space<hbm>>
          %dma_wait3A_212 = arith.constant 0 : i32
          %dma_wait3A_213 = tpu.memref_slice %arg8[%mul3A_2, %dma_wait3A_212] : memref<16384x300xf32, #tpu.memory_space<hbm>> -> memref<64x300xf32, #tpu.memory_space<hbm>>
          tpu.wait_dma2 semaphore(%arg17 : memref<!tpu.dma_semaphore, #tpu.memory_space<semaphore_mem>>) src(%arg11 : memref<64x300xf32, #tpu.memory_space<vmem>>) dst(%dma_wait3A_213 : memref<64x300xf32, #tpu.memory_space<hbm>>)
        } else {
        }
        %mul3A_190 = arith.constant 64 : i32
        %mul3A_191 = arith.muli %add3A_148, %mul3A_190 : i32
        %dma_start3A_192 = arith.constant 0 : i32
        %dma_start3A_193 = arith.constant 0 : i32
        %dma_start3A_194 = tpu.memref_slice %arg11[%dma_start3A_192, %dma_start3A_193] : memref<64x300xf32, #tpu.memory_space<vmem>> -> memref<64x128xf32, #tpu.memory_space<vmem>>
        %dma_start3A_195 = tpu.memref_slice %arg10[%mul3A_191] : memref<512xi32, #tpu.memory_space<vmem>> -> memref<64xi32, #tpu.memory_space<vmem>>
        %dma_start3A_196 = arith.constant 0 : i32
        %dma_start3A_197 = arith.constant 0 : i32
        %dma_start3A_198 = tpu.memref_slice %arg2[%dma_start3A_196, %dma_start3A_197] : memref<100000x300xf32, #tpu.memory_space<hbm>> -> memref<100000x128xf32, #tpu.memory_space<hbm>>
        tpu.enqueue_indirect_dma source(%dma_start3A_198 : memref<100000x128xf32, #tpu.memory_space<hbm>>) target(%dma_start3A_194 : memref<64x128xf32, #tpu.memory_space<vmem>>) offsets(%dma_start3A_195 : memref<64xi32, #tpu.memory_space<vmem>>) semaphore(%arg15 : memref<!tpu.dma_semaphore, #tpu.memory_space<semaphore_mem>>)
        %dma_start3A_199 = arith.constant 0 : i32
        %dma_start3A_200 = arith.constant 128 : i32
        %dma_start3A_201 = tpu.memref_slice %arg11[%dma_start3A_199, %dma_start3A_200] : memref<64x300xf32, #tpu.memory_space<vmem>> -> memref<64x128xf32, #tpu.memory_space<vmem>>
        %dma_start3A_202 = tpu.memref_slice %arg10[%mul3A_191] : memref<512xi32, #tpu.memory_space<vmem>> -> memref<64xi32, #tpu.memory_space<vmem>>
        %dma_start3A_203 = arith.constant 0 : i32
        %dma_start3A_204 = arith.constant 128 : i32
        %dma_start3A_205 = tpu.memref_slice %arg2[%dma_start3A_203, %dma_start3A_204] : memref<100000x300xf32, #tpu.memory_space<hbm>> -> memref<100000x128xf32, #tpu.memory_space<hbm>>
        tpu.enqueue_indirect_dma source(%dma_start3A_205 : memref<100000x128xf32, #tpu.memory_space<hbm>>) target(%dma_start3A_201 : memref<64x128xf32, #tpu.memory_space<vmem>>) offsets(%dma_start3A_202 : memref<64xi32, #tpu.memory_space<vmem>>) semaphore(%arg15 : memref<!tpu.dma_semaphore, #tpu.memory_space<semaphore_mem>>)
        %dma_start3A_206 = tpu.memref_slice %arg10[%mul3A_191] : memref<512xi32, #tpu.memory_space<vmem>> -> memref<64xi32, #tpu.memory_space<vmem>>
        %dma_start3A_207 = arith.constant 0 : i32
        %dma_start3A_208 = arith.constant 0 : i32
        %dma_start3A_209 = tpu.memref_slice %arg3[%dma_start3A_207, %dma_start3A_208] : memref<100000x128xf32, #tpu.memory_space<hbm>> -> memref<100000x128xf32, #tpu.memory_space<hbm>>
        tpu.enqueue_indirect_dma source(%dma_start3A_209 : memref<100000x128xf32, #tpu.memory_space<hbm>>) target(%arg13 : memref<64x128xf32, #tpu.memory_space<vmem>>) offsets(%dma_start3A_206 : memref<64xi32, #tpu.memory_space<vmem>>) semaphore(%arg15 : memref<!tpu.dma_semaphore, #tpu.memory_space<semaphore_mem>>)
      } else {
      }
      %mul3A_154 = arith.constant 64 : i32
      %mul3A_155 = arith.muli %add3A_146, %mul3A_154 : i32
      %dma_wait3A_156 = arith.constant 0 : i32
      %dma_wait3A_157 = arith.constant 0 : i32
      %dma_wait3A_158 = tpu.memref_slice %arg12[%dma_wait3A_156, %dma_wait3A_157] : memref<64x300xf32, #tpu.memory_space<vmem>> -> memref<64x128xf32, #tpu.memory_space<vmem>>
      %dma_wait3A_159 = tpu.memref_slice %arg10[%mul3A_155] : memref<512xi32, #tpu.memory_space<vmem>> -> memref<64xi32, #tpu.memory_space<vmem>>
      %dma_wait3A_160 = arith.constant 0 : i32
      %dma_wait3A_161 = arith.constant 0 : i32
      %dma_wait3A_162 = tpu.memref_slice %arg2[%dma_wait3A_160, %dma_wait3A_161] : memref<100000x300xf32, #tpu.memory_space<hbm>> -> memref<100000x128xf32, #tpu.memory_space<hbm>>
      tpu.wait_indirect_dma semaphore(%arg16 : memref<!tpu.dma_semaphore, #tpu.memory_space<semaphore_mem>>) src(%dma_wait3A_162 : memref<100000x128xf32, #tpu.memory_space<hbm>>) dst(%dma_wait3A_158 : memref<64x128xf32, #tpu.memory_space<vmem>>)
      %dma_wait3A_163 = arith.constant 0 : i32
      %dma_wait3A_164 = arith.constant 128 : i32
      %dma_wait3A_165 = tpu.memref_slice %arg12[%dma_wait3A_163, %dma_wait3A_164] : memref<64x300xf32, #tpu.memory_space<vmem>> -> memref<64x128xf32, #tpu.memory_space<vmem>>
      %dma_wait3A_166 = tpu.memref_slice %arg10[%mul3A_155] : memref<512xi32, #tpu.memory_space<vmem>> -> memref<64xi32, #tpu.memory_space<vmem>>
      %dma_wait3A_167 = arith.constant 0 : i32
      %dma_wait3A_168 = arith.constant 128 : i32
      %dma_wait3A_169 = tpu.memref_slice %arg2[%dma_wait3A_167, %dma_wait3A_168] : memref<100000x300xf32, #tpu.memory_space<hbm>> -> memref<100000x128xf32, #tpu.memory_space<hbm>>
      tpu.wait_indirect_dma semaphore(%arg16 : memref<!tpu.dma_semaphore, #tpu.memory_space<semaphore_mem>>) src(%dma_wait3A_169 : memref<100000x128xf32, #tpu.memory_space<hbm>>) dst(%dma_wait3A_165 : memref<64x128xf32, #tpu.memory_space<vmem>>)
      %dma_wait3A_170 = tpu.memref_slice %arg10[%mul3A_155] : memref<512xi32, #tpu.memory_space<vmem>> -> memref<64xi32, #tpu.memory_space<vmem>>
      %dma_wait3A_171 = arith.constant 0 : i32
      %dma_wait3A_172 = arith.constant 0 : i32
      %dma_wait3A_173 = tpu.memref_slice %arg3[%dma_wait3A_171, %dma_wait3A_172] : memref<100000x128xf32, #tpu.memory_space<hbm>> -> memref<100000x128xf32, #tpu.memory_space<hbm>>
      tpu.wait_indirect_dma semaphore(%arg16 : memref<!tpu.dma_semaphore, #tpu.memory_space<semaphore_mem>>) src(%dma_wait3A_173 : memref<100000x128xf32, #tpu.memory_space<hbm>>) dst(%arg14 : memref<64x128xf32, #tpu.memory_space<vmem>>)
      %scan3A_174 = arith.constant 0 : i32
      %scan3A_175 = arith.constant 64 : i32
      %scan3A_176 = arith.addi %scan3A_174, %scan3A_175 : i32
      %scan3A_177 = arith.constant 1 : i32
      scf.for %scan3A_186 = %scan3A_174 to %scan3A_176 step %scan3A_177  : i32 {
        %mul3A_187 = arith.constant 1 : i32
        %mul3A_188 = arith.muli %scan3A_186, %mul3A_187 : i32
        %add3A_189 = arith.constant 0 : i32
        %add3A_190 = arith.addi %add3A_189, %mul3A_188 : i32
        %get3A = arith.index_cast %add3A_190 : i32 to index
        %get3A_191 = arith.constant 84 : index
        %get3A_192 = tpu.vector_load %arg14[%get3A, %get3A_191] {strides = array<i32>} : memref<64x128xf32, #tpu.memory_space<vmem>>, vector<16xf32>,
        %swap3A = arith.index_cast %add3A_190 : i32 to index
        %swap3A_193 = arith.constant 256 : index
        %swap3A_194 = tpu.vector_load %arg12[%swap3A, %swap3A_193] {strides = array<i32>} : memref<64x300xf32, #tpu.memory_space<vmem>>, vector<16xf32>,
        tpu.vector_store %arg12[%swap3A, %swap3A_193], %get3A_192 {strides = array<i32>} : memref<64x300xf32, #tpu.memory_space<vmem>>, vector<16xf32>,
        %get3A_195 = arith.index_cast %add3A_190 : i32 to index
        %get3A_196 = arith.constant 100 : index
        %get3A_197 = tpu.vector_load %arg14[%get3A_195, %get3A_196] {strides = array<i32>} : memref<64x128xf32, #tpu.memory_space<vmem>>, vector<16xf32>,
        %swap3A_198 = arith.index_cast %add3A_190 : i32 to index
        %swap3A_199 = arith.constant 272 : index
        %swap3A_200 = tpu.vector_load %arg12[%swap3A_198, %swap3A_199] {strides = array<i32>} : memref<64x300xf32, #tpu.memory_space<vmem>>, vector<16xf32>,
        tpu.vector_store %arg12[%swap3A_198, %swap3A_199], %get3A_197 {strides = array<i32>} : memref<64x300xf32, #tpu.memory_space<vmem>>, vector<16xf32>,
        %get3A_201 = arith.index_cast %add3A_190 : i32 to index
        %get3A_202 = arith.constant 112 : index
        %get3A_203 = tpu.vector_load %arg14[%get3A_201, %get3A_202] {strides = array<i32>} : memref<64x128xf32, #tpu.memory_space<vmem>>, vector<16xf32>,
        %swap3A_204 = arith.index_cast %add3A_190 : i32 to index
        %swap3A_205 = arith.constant 284 : index
        %swap3A_206 = tpu.vector_load %arg12[%swap3A_204, %swap3A_205] {strides = array<i32>} : memref<64x300xf32, #tpu.memory_space<vmem>>, vector<16xf32>,
        tpu.vector_store %arg12[%swap3A_204, %swap3A_205], %get3A_203 {strides = array<i32>} : memref<64x300xf32, #tpu.memory_space<vmem>>, vector<16xf32>,
      }
      %scan3A_178 = arith.constant 64 : i32
      %mul3A_179 = arith.constant 64 : i32
      %mul3A_180 = arith.muli %add3A_146, %mul3A_179 : i32
      %add3A_181 = arith.addi %mul3A_2, %mul3A_180 : i32
      %dma_start3A_182 = arith.constant 0 : i32
      %dma_start3A_183 = tpu.memref_slice %arg8[%add3A_181, %dma_start3A_182] : memref<16384x300xf32, #tpu.memory_space<hbm>> -> memref<64x300xf32, #tpu.memory_space<hbm>>
      %dma_start3A_184 = arith.constant 0 : i32
      %dma_start3A_185 = tpu.memref_slice %arg8[%add3A_181, %dma_start3A_184] : memref<16384x300xf32, #tpu.memory_space<hbm>> -> memref<64x300xf32, #tpu.memory_space<hbm>>
      tpu.enqueue_dma source(%arg12 : memref<64x300xf32, #tpu.memory_space<vmem>>) target(%dma_start3A_185 : memref<64x300xf32, #tpu.memory_space<hbm>>) target_semaphore(%arg18 : memref<!tpu.dma_semaphore, #tpu.memory_space<semaphore_mem>>)
    }
    %scan3A_59 = arith.constant 4 : i32
    %dma_wait3A_60 = arith.constant 0 : i32
    %dma_wait3A_61 = tpu.memref_slice %arg8[%mul3A_2, %dma_wait3A_60] : memref<16384x300xf32, #tpu.memory_space<hbm>> -> memref<64x300xf32, #tpu.memory_space<hbm>>
    %dma_wait3A_62 = arith.constant 0 : i32
    %dma_wait3A_63 = tpu.memref_slice %arg8[%mul3A_2, %dma_wait3A_62] : memref<16384x300xf32, #tpu.memory_space<hbm>> -> memref<64x300xf32, #tpu.memory_space<hbm>>
    tpu.wait_dma2 semaphore(%arg17 : memref<!tpu.dma_semaphore, #tpu.memory_space<semaphore_mem>>) src(%arg11 : memref<64x300xf32, #tpu.memory_space<vmem>>) dst(%dma_wait3A_63 : memref<64x300xf32, #tpu.memory_space<hbm>>)
    %dma_wait3A_64 = arith.constant 0 : i32
    %dma_wait3A_65 = tpu.memref_slice %arg8[%mul3A_2, %dma_wait3A_64] : memref<16384x300xf32, #tpu.memory_space<hbm>> -> memref<64x300xf32, #tpu.memory_space<hbm>>
    %dma_wait3A_66 = arith.constant 0 : i32
    %dma_wait3A_67 = tpu.memref_slice %arg8[%mul3A_2, %dma_wait3A_66] : memref<16384x300xf32, #tpu.memory_space<hbm>> -> memref<64x300xf32, #tpu.memory_space<hbm>>
    tpu.wait_dma2 semaphore(%arg18 : memref<!tpu.dma_semaphore, #tpu.memory_space<semaphore_mem>>) src(%arg12 : memref<64x300xf32, #tpu.memory_space<vmem>>) dst(%dma_wait3A_67 : memref<64x300xf32, #tpu.memory_space<hbm>>)
    "tpu.region"() ({
      %run_scoped3A = tpu.sem_alloc : memref<!tpu.dma_semaphore, #tpu.memory_space<semaphore_mem>>
      %dma_start3A_102 = tpu.memref_slice %arg6[%mul3A_2] : memref<16384xi32, #tpu.memory_space<hbm>> -> memref<512xi32, #tpu.memory_space<hbm>>
      %dma_start3A_103 = tpu.memref_slice %arg6[%mul3A_2] : memref<16384xi32, #tpu.memory_space<hbm>> -> memref<512xi32, #tpu.memory_space<hbm>>
      tpu.enqueue_dma source(%dma_start3A_103 : memref<512xi32, #tpu.memory_space<hbm>>) target(%arg10 : memref<512xi32, #tpu.memory_space<vmem>>) target_semaphore(%run_scoped3A : memref<!tpu.dma_semaphore, #tpu.memory_space<semaphore_mem>>)
      %dma_wait3A_104 = tpu.memref_slice %arg6[%mul3A_2] : memref<16384xi32, #tpu.memory_space<hbm>> -> memref<512xi32, #tpu.memory_space<hbm>>
      %dma_wait3A_105 = tpu.memref_slice %arg6[%mul3A_2] : memref<16384xi32, #tpu.memory_space<hbm>> -> memref<512xi32, #tpu.memory_space<hbm>>
      tpu.wait_dma2 semaphore(%run_scoped3A : memref<!tpu.dma_semaphore, #tpu.memory_space<semaphore_mem>>) src(%dma_wait3A_105 : memref<512xi32, #tpu.memory_space<hbm>>) dst(%arg10 : memref<512xi32, #tpu.memory_space<vmem>>)
      tpu.yield
    }) : () -> ()
    %dma_start3A_68 = arith.constant 0 : i32
    %dma_start3A_69 = arith.constant 0 : i32
    %dma_start3A_70 = tpu.memref_slice %arg11[%dma_start3A_68, %dma_start3A_69] : memref<64x300xf32, #tpu.memory_space<vmem>> -> memref<64x128xf32, #tpu.memory_space<vmem>>
    %dma_start3A_71 = arith.constant 0 : i32
    %dma_start3A_72 = tpu.memref_slice %arg10[%dma_start3A_71] : memref<512xi32, #tpu.memory_space<vmem>> -> memref<64xi32, #tpu.memory_space<vmem>>
    %dma_start3A_73 = arith.constant 0 : i32
    %dma_start3A_74 = arith.constant 0 : i32
    %dma_start3A_75 = tpu.memref_slice %arg2[%dma_start3A_73, %dma_start3A_74] : memref<100000x300xf32, #tpu.memory_space<hbm>> -> memref<100000x128xf32, #tpu.memory_space<hbm>>
    tpu.enqueue_indirect_dma source(%dma_start3A_75 : memref<100000x128xf32, #tpu.memory_space<hbm>>) target(%dma_start3A_70 : memref<64x128xf32, #tpu.memory_space<vmem>>) offsets(%dma_start3A_72 : memref<64xi32, #tpu.memory_space<vmem>>) semaphore(%arg15 : memref<!tpu.dma_semaphore, #tpu.memory_space<semaphore_mem>>)
    %dma_start3A_76 = arith.constant 0 : i32
    %dma_start3A_77 = arith.constant 128 : i32
    %dma_start3A_78 = tpu.memref_slice %arg11[%dma_start3A_76, %dma_start3A_77] : memref<64x300xf32, #tpu.memory_space<vmem>> -> memref<64x128xf32, #tpu.memory_space<vmem>>
    %dma_start3A_79 = arith.constant 0 : i32
    %dma_start3A_80 = tpu.memref_slice %arg10[%dma_start3A_79] : memref<512xi32, #tpu.memory_space<vmem>> -> memref<64xi32, #tpu.memory_space<vmem>>
    %dma_start3A_81 = arith.constant 0 : i32
    %dma_start3A_82 = arith.constant 128 : i32
    %dma_start3A_83 = tpu.memref_slice %arg2[%dma_start3A_81, %dma_start3A_82] : memref<100000x300xf32, #tpu.memory_space<hbm>> -> memref<100000x128xf32, #tpu.memory_space<hbm>>
    tpu.enqueue_indirect_dma source(%dma_start3A_83 : memref<100000x128xf32, #tpu.memory_space<hbm>>) target(%dma_start3A_78 : memref<64x128xf32, #tpu.memory_space<vmem>>) offsets(%dma_start3A_80 : memref<64xi32, #tpu.memory_space<vmem>>) semaphore(%arg15 : memref<!tpu.dma_semaphore, #tpu.memory_space<semaphore_mem>>)
    %dma_start3A_84 = arith.constant 0 : i32
    %dma_start3A_85 = tpu.memref_slice %arg10[%dma_start3A_84] : memref<512xi32, #tpu.memory_space<vmem>> -> memref<64xi32, #tpu.memory_space<vmem>>
    %dma_start3A_86 = arith.constant 0 : i32
    %dma_start3A_87 = arith.constant 0 : i32
    %dma_start3A_88 = tpu.memref_slice %arg3[%dma_start3A_86, %dma_start3A_87] : memref<100000x128xf32, #tpu.memory_space<hbm>> -> memref<100000x128xf32, #tpu.memory_space<hbm>>
    tpu.enqueue_indirect_dma source(%dma_start3A_88 : memref<100000x128xf32, #tpu.memory_space<hbm>>) target(%arg13 : memref<64x128xf32, #tpu.memory_space<vmem>>) offsets(%dma_start3A_85 : memref<64xi32, #tpu.memory_space<vmem>>) semaphore(%arg15 : memref<!tpu.dma_semaphore, #tpu.memory_space<semaphore_mem>>)
    %scan3A_89 = arith.constant 0 : i32
    %scan3A_90 = arith.constant 4 : i32
    %scan3A_91 = arith.addi %scan3A_89, %scan3A_90 : i32
    %scan3A_92 = arith.constant 1 : i32
    scf.for %scan3A_102 = %scan3A_89 to %scan3A_91 step %scan3A_92  : i32 {
      %mul3A_103 = arith.constant 2 : i32
      %mul3A_104 = arith.muli %scan3A_102, %mul3A_103 : i32
      %add3A_105 = arith.constant 0 : i32
      %add3A_106 = arith.addi %add3A_105, %mul3A_104 : i32
      %add3A_107 = arith.constant 0 : i32
      %add3A_108 = arith.addi %add3A_106, %add3A_107 : i32
      %add3A_109 = arith.constant 1 : i32
      %add3A_110 = arith.addi %add3A_108, %add3A_109 : i32
      %lt3A = arith.constant 8 : i32
      %lt3A_111 = arith.cmpi slt, %add3A_110, %lt3A : i32
      %convert_element_type3A = arith.extui %lt3A_111 : i1 to i32
      %cond3A = arith.constant 0 : i32
      %cond3A_112 = arith.cmpi ne, %convert_element_type3A, %cond3A : i32
      scf.if %cond3A_112 {
        %ge3A = arith.constant 2 : i32
        %ge3A_186 = arith.cmpi sge, %add3A_110, %ge3A : i32
        %convert_element_type3A_187 = arith.extui %ge3A_186 : i1 to i32
        %cond3A_188 = arith.constant 0 : i32
        %cond3A_189 = arith.cmpi ne, %convert_element_type3A_187, %cond3A_188 : i32
        scf.if %cond3A_189 {
          %dma_wait3A_210 = arith.constant 0 : i32
          %dma_wait3A_211 = tpu.memref_slice %arg9[%mul3A_2, %dma_wait3A_210] : memref<16384x300xf32, #tpu.memory_space<hbm>> -> memref<64x300xf32, #tpu.memory_space<hbm>>
          %dma_wait3A_212 = arith.constant 0 : i32
          %dma_wait3A_213 = tpu.memref_slice %arg9[%mul3A_2, %dma_wait3A_212] : memref<16384x300xf32, #tpu.memory_space<hbm>> -> memref<64x300xf32, #tpu.memory_space<hbm>>
          tpu.wait_dma2 semaphore(%arg18 : memref<!tpu.dma_semaphore, #tpu.memory_space<semaphore_mem>>) src(%arg12 : memref<64x300xf32, #tpu.memory_space<vmem>>) dst(%dma_wait3A_213 : memref<64x300xf32, #tpu.memory_space<hbm>>)
        } else {
        }
        %mul3A_190 = arith.constant 64 : i32
        %mul3A_191 = arith.muli %add3A_110, %mul3A_190 : i32
        %dma_start3A_192 = arith.constant 0 : i32
        %dma_start3A_193 = arith.constant 0 : i32
        %dma_start3A_194 = tpu.memref_slice %arg12[%dma_start3A_192, %dma_start3A_193] : memref<64x300xf32, #tpu.memory_space<vmem>> -> memref<64x128xf32, #tpu.memory_space<vmem>>
        %dma_start3A_195 = tpu.memref_slice %arg10[%mul3A_191] : memref<512xi32, #tpu.memory_space<vmem>> -> memref<64xi32, #tpu.memory_space<vmem>>
        %dma_start3A_196 = arith.constant 0 : i32
        %dma_start3A_197 = arith.constant 0 : i32
        %dma_start3A_198 = tpu.memref_slice %arg2[%dma_start3A_196, %dma_start3A_197] : memref<100000x300xf32, #tpu.memory_space<hbm>> -> memref<100000x128xf32, #tpu.memory_space<hbm>>
        tpu.enqueue_indirect_dma source(%dma_start3A_198 : memref<100000x128xf32, #tpu.memory_space<hbm>>) target(%dma_start3A_194 : memref<64x128xf32, #tpu.memory_space<vmem>>) offsets(%dma_start3A_195 : memref<64xi32, #tpu.memory_space<vmem>>) semaphore(%arg16 : memref<!tpu.dma_semaphore, #tpu.memory_space<semaphore_mem>>)
        %dma_start3A_199 = arith.constant 0 : i32
        %dma_start3A_200 = arith.constant 128 : i32
        %dma_start3A_201 = tpu.memref_slice %arg12[%dma_start3A_199, %dma_start3A_200] : memref<64x300xf32, #tpu.memory_space<vmem>> -> memref<64x128xf32, #tpu.memory_space<vmem>>
        %dma_start3A_202 = tpu.memref_slice %arg10[%mul3A_191] : memref<512xi32, #tpu.memory_space<vmem>> -> memref<64xi32, #tpu.memory_space<vmem>>
        %dma_start3A_203 = arith.constant 0 : i32
        %dma_start3A_204 = arith.constant 128 : i32
        %dma_start3A_205 = tpu.memref_slice %arg2[%dma_start3A_203, %dma_start3A_204] : memref<100000x300xf32, #tpu.memory_space<hbm>> -> memref<100000x128xf32, #tpu.memory_space<hbm>>
        tpu.enqueue_indirect_dma source(%dma_start3A_205 : memref<100000x128xf32, #tpu.memory_space<hbm>>) target(%dma_start3A_201 : memref<64x128xf32, #tpu.memory_space<vmem>>) offsets(%dma_start3A_202 : memref<64xi32, #tpu.memory_space<vmem>>) semaphore(%arg16 : memref<!tpu.dma_semaphore, #tpu.memory_space<semaphore_mem>>)
        %dma_start3A_206 = tpu.memref_slice %arg10[%mul3A_191] : memref<512xi32, #tpu.memory_space<vmem>> -> memref<64xi32, #tpu.memory_space<vmem>>
        %dma_start3A_207 = arith.constant 0 : i32
        %dma_start3A_208 = arith.constant 0 : i32
        %dma_start3A_209 = tpu.memref_slice %arg3[%dma_start3A_207, %dma_start3A_208] : memref<100000x128xf32, #tpu.memory_space<hbm>> -> memref<100000x128xf32, #tpu.memory_space<hbm>>
        tpu.enqueue_indirect_dma source(%dma_start3A_209 : memref<100000x128xf32, #tpu.memory_space<hbm>>) target(%arg14 : memref<64x128xf32, #tpu.memory_space<vmem>>) offsets(%dma_start3A_206 : memref<64xi32, #tpu.memory_space<vmem>>) semaphore(%arg16 : memref<!tpu.dma_semaphore, #tpu.memory_space<semaphore_mem>>)
      } else {
      }
      %mul3A_113 = arith.constant 64 : i32
      %mul3A_114 = arith.muli %add3A_108, %mul3A_113 : i32
      %dma_wait3A_115 = arith.constant 0 : i32
      %dma_wait3A_116 = arith.constant 0 : i32
      %dma_wait3A_117 = tpu.memref_slice %arg11[%dma_wait3A_115, %dma_wait3A_116] : memref<64x300xf32, #tpu.memory_space<vmem>> -> memref<64x128xf32, #tpu.memory_space<vmem>>
      %dma_wait3A_118 = tpu.memref_slice %arg10[%mul3A_114] : memref<512xi32, #tpu.memory_space<vmem>> -> memref<64xi32, #tpu.memory_space<vmem>>
      %dma_wait3A_119 = arith.constant 0 : i32
      %dma_wait3A_120 = arith.constant 0 : i32
      %dma_wait3A_121 = tpu.memref_slice %arg2[%dma_wait3A_119, %dma_wait3A_120] : memref<100000x300xf32, #tpu.memory_space<hbm>> -> memref<100000x128xf32, #tpu.memory_space<hbm>>
      tpu.wait_indirect_dma semaphore(%arg15 : memref<!tpu.dma_semaphore, #tpu.memory_space<semaphore_mem>>) src(%dma_wait3A_121 : memref<100000x128xf32, #tpu.memory_space<hbm>>) dst(%dma_wait3A_117 : memref<64x128xf32, #tpu.memory_space<vmem>>)
      %dma_wait3A_122 = arith.constant 0 : i32
      %dma_wait3A_123 = arith.constant 128 : i32
      %dma_wait3A_124 = tpu.memref_slice %arg11[%dma_wait3A_122, %dma_wait3A_123] : memref<64x300xf32, #tpu.memory_space<vmem>> -> memref<64x128xf32, #tpu.memory_space<vmem>>
      %dma_wait3A_125 = tpu.memref_slice %arg10[%mul3A_114] : memref<512xi32, #tpu.memory_space<vmem>> -> memref<64xi32, #tpu.memory_space<vmem>>
      %dma_wait3A_126 = arith.constant 0 : i32
      %dma_wait3A_127 = arith.constant 128 : i32
      %dma_wait3A_128 = tpu.memref_slice %arg2[%dma_wait3A_126, %dma_wait3A_127] : memref<100000x300xf32, #tpu.memory_space<hbm>> -> memref<100000x128xf32, #tpu.memory_space<hbm>>
      tpu.wait_indirect_dma semaphore(%arg15 : memref<!tpu.dma_semaphore, #tpu.memory_space<semaphore_mem>>) src(%dma_wait3A_128 : memref<100000x128xf32, #tpu.memory_space<hbm>>) dst(%dma_wait3A_124 : memref<64x128xf32, #tpu.memory_space<vmem>>)
      %dma_wait3A_129 = tpu.memref_slice %arg10[%mul3A_114] : memref<512xi32, #tpu.memory_space<vmem>> -> memref<64xi32, #tpu.memory_space<vmem>>
      %dma_wait3A_130 = arith.constant 0 : i32
      %dma_wait3A_131 = arith.constant 0 : i32
      %dma_wait3A_132 = tpu.memref_slice %arg3[%dma_wait3A_130, %dma_wait3A_131] : memref<100000x128xf32, #tpu.memory_space<hbm>> -> memref<100000x128xf32, #tpu.memory_space<hbm>>
      tpu.wait_indirect_dma semaphore(%arg15 : memref<!tpu.dma_semaphore, #tpu.memory_space<semaphore_mem>>) src(%dma_wait3A_132 : memref<100000x128xf32, #tpu.memory_space<hbm>>) dst(%arg13 : memref<64x128xf32, #tpu.memory_space<vmem>>)
      %scan3A_133 = arith.constant 0 : i32
      %scan3A_134 = arith.constant 64 : i32
      %scan3A_135 = arith.addi %scan3A_133, %scan3A_134 : i32
      %scan3A_136 = arith.constant 1 : i32
      scf.for %scan3A_186 = %scan3A_133 to %scan3A_135 step %scan3A_136  : i32 {
        %mul3A_187 = arith.constant 1 : i32
        %mul3A_188 = arith.muli %scan3A_186, %mul3A_187 : i32
        %add3A_189 = arith.constant 0 : i32
        %add3A_190 = arith.addi %add3A_189, %mul3A_188 : i32
        %get3A = arith.index_cast %add3A_190 : i32 to index
        %get3A_191 = arith.constant 84 : index
        %get3A_192 = tpu.vector_load %arg13[%get3A, %get3A_191] {strides = array<i32>} : memref<64x128xf32, #tpu.memory_space<vmem>>, vector<16xf32>,
        %swap3A = arith.index_cast %add3A_190 : i32 to index
        %swap3A_193 = arith.constant 256 : index
        %swap3A_194 = tpu.vector_load %arg11[%swap3A, %swap3A_193] {strides = array<i32>} : memref<64x300xf32, #tpu.memory_space<vmem>>, vector<16xf32>,
        tpu.vector_store %arg11[%swap3A, %swap3A_193], %get3A_192 {strides = array<i32>} : memref<64x300xf32, #tpu.memory_space<vmem>>, vector<16xf32>,
        %get3A_195 = arith.index_cast %add3A_190 : i32 to index
        %get3A_196 = arith.constant 100 : index
        %get3A_197 = tpu.vector_load %arg13[%get3A_195, %get3A_196] {strides = array<i32>} : memref<64x128xf32, #tpu.memory_space<vmem>>, vector<16xf32>,
        %swap3A_198 = arith.index_cast %add3A_190 : i32 to index
        %swap3A_199 = arith.constant 272 : index
        %swap3A_200 = tpu.vector_load %arg11[%swap3A_198, %swap3A_199] {strides = array<i32>} : memref<64x300xf32, #tpu.memory_space<vmem>>, vector<16xf32>,
        tpu.vector_store %arg11[%swap3A_198, %swap3A_199], %get3A_197 {strides = array<i32>} : memref<64x300xf32, #tpu.memory_space<vmem>>, vector<16xf32>,
        %get3A_201 = arith.index_cast %add3A_190 : i32 to index
        %get3A_202 = arith.constant 112 : index
        %get3A_203 = tpu.vector_load %arg13[%get3A_201, %get3A_202] {strides = array<i32>} : memref<64x128xf32, #tpu.memory_space<vmem>>, vector<16xf32>,
        %swap3A_204 = arith.index_cast %add3A_190 : i32 to index
        %swap3A_205 = arith.constant 284 : index
        %swap3A_206 = tpu.vector_load %arg11[%swap3A_204, %swap3A_205] {strides = array<i32>} : memref<64x300xf32, #tpu.memory_space<vmem>>, vector<16xf32>,
        tpu.vector_store %arg11[%swap3A_204, %swap3A_205], %get3A_203 {strides = array<i32>} : memref<64x300xf32, #tpu.memory_space<vmem>>, vector<16xf32>,
      }
      %scan3A_137 = arith.constant 64 : i32
      %mul3A_138 = arith.constant 64 : i32
      %mul3A_139 = arith.muli %add3A_108, %mul3A_138 : i32
      %add3A_140 = arith.addi %mul3A_2, %mul3A_139 : i32
      %dma_start3A_141 = arith.constant 0 : i32
      %dma_start3A_142 = tpu.memref_slice %arg9[%add3A_140, %dma_start3A_141] : memref<16384x300xf32, #tpu.memory_space<hbm>> -> memref<64x300xf32, #tpu.memory_space<hbm>>
      %dma_start3A_143 = arith.constant 0 : i32
      %dma_start3A_144 = tpu.memref_slice %arg9[%add3A_140, %dma_start3A_143] : memref<16384x300xf32, #tpu.memory_space<hbm>> -> memref<64x300xf32, #tpu.memory_space<hbm>>
      tpu.enqueue_dma source(%arg11 : memref<64x300xf32, #tpu.memory_space<vmem>>) target(%dma_start3A_144 : memref<64x300xf32, #tpu.memory_space<hbm>>) target_semaphore(%arg17 : memref<!tpu.dma_semaphore, #tpu.memory_space<semaphore_mem>>)
      %add3A_145 = arith.constant 1 : i32
      %add3A_146 = arith.addi %add3A_106, %add3A_145 : i32
      %add3A_147 = arith.constant 1 : i32
      %add3A_148 = arith.addi %add3A_146, %add3A_147 : i32
      %lt3A_149 = arith.constant 8 : i32
      %lt3A_150 = arith.cmpi slt, %add3A_148, %lt3A_149 : i32
      %convert_element_type3A_151 = arith.extui %lt3A_150 : i1 to i32
      %cond3A_152 = arith.constant 0 : i32
      %cond3A_153 = arith.cmpi ne, %convert_element_type3A_151, %cond3A_152 : i32
      scf.if %cond3A_153 {
        %ge3A = arith.constant 2 : i32
        %ge3A_186 = arith.cmpi sge, %add3A_148, %ge3A : i32
        %convert_element_type3A_187 = arith.extui %ge3A_186 : i1 to i32
        %cond3A_188 = arith.constant 0 : i32
        %cond3A_189 = arith.cmpi ne, %convert_element_type3A_187, %cond3A_188 : i32
        scf.if %cond3A_189 {
          %dma_wait3A_210 = arith.constant 0 : i32
          %dma_wait3A_211 = tpu.memref_slice %arg9[%mul3A_2, %dma_wait3A_210] : memref<16384x300xf32, #tpu.memory_space<hbm>> -> memref<64x300xf32, #tpu.memory_space<hbm>>
          %dma_wait3A_212 = arith.constant 0 : i32
          %dma_wait3A_213 = tpu.memref_slice %arg9[%mul3A_2, %dma_wait3A_212] : memref<16384x300xf32, #tpu.memory_space<hbm>> -> memref<64x300xf32, #tpu.memory_space<hbm>>
          tpu.wait_dma2 semaphore(%arg17 : memref<!tpu.dma_semaphore, #tpu.memory_space<semaphore_mem>>) src(%arg11 : memref<64x300xf32, #tpu.memory_space<vmem>>) dst(%dma_wait3A_213 : memref<64x300xf32, #tpu.memory_space<hbm>>)
        } else {
        }
        %mul3A_190 = arith.constant 64 : i32
        %mul3A_191 = arith.muli %add3A_148, %mul3A_190 : i32
        %dma_start3A_192 = arith.constant 0 : i32
        %dma_start3A_193 = arith.constant 0 : i32
        %dma_start3A_194 = tpu.memref_slice %arg11[%dma_start3A_192, %dma_start3A_193] : memref<64x300xf32, #tpu.memory_space<vmem>> -> memref<64x128xf32, #tpu.memory_space<vmem>>
        %dma_start3A_195 = tpu.memref_slice %arg10[%mul3A_191] : memref<512xi32, #tpu.memory_space<vmem>> -> memref<64xi32, #tpu.memory_space<vmem>>
        %dma_start3A_196 = arith.constant 0 : i32
        %dma_start3A_197 = arith.constant 0 : i32
        %dma_start3A_198 = tpu.memref_slice %arg2[%dma_start3A_196, %dma_start3A_197] : memref<100000x300xf32, #tpu.memory_space<hbm>> -> memref<100000x128xf32, #tpu.memory_space<hbm>>
        tpu.enqueue_indirect_dma source(%dma_start3A_198 : memref<100000x128xf32, #tpu.memory_space<hbm>>) target(%dma_start3A_194 : memref<64x128xf32, #tpu.memory_space<vmem>>) offsets(%dma_start3A_195 : memref<64xi32, #tpu.memory_space<vmem>>) semaphore(%arg15 : memref<!tpu.dma_semaphore, #tpu.memory_space<semaphore_mem>>)
        %dma_start3A_199 = arith.constant 0 : i32
        %dma_start3A_200 = arith.constant 128 : i32
        %dma_start3A_201 = tpu.memref_slice %arg11[%dma_start3A_199, %dma_start3A_200] : memref<64x300xf32, #tpu.memory_space<vmem>> -> memref<64x128xf32, #tpu.memory_space<vmem>>
        %dma_start3A_202 = tpu.memref_slice %arg10[%mul3A_191] : memref<512xi32, #tpu.memory_space<vmem>> -> memref<64xi32, #tpu.memory_space<vmem>>
        %dma_start3A_203 = arith.constant 0 : i32
        %dma_start3A_204 = arith.constant 128 : i32
        %dma_start3A_205 = tpu.memref_slice %arg2[%dma_start3A_203, %dma_start3A_204] : memref<100000x300xf32, #tpu.memory_space<hbm>> -> memref<100000x128xf32, #tpu.memory_space<hbm>>
        tpu.enqueue_indirect_dma source(%dma_start3A_205 : memref<100000x128xf32, #tpu.memory_space<hbm>>) target(%dma_start3A_201 : memref<64x128xf32, #tpu.memory_space<vmem>>) offsets(%dma_start3A_202 : memref<64xi32, #tpu.memory_space<vmem>>) semaphore(%arg15 : memref<!tpu.dma_semaphore, #tpu.memory_space<semaphore_mem>>)
        %dma_start3A_206 = tpu.memref_slice %arg10[%mul3A_191] : memref<512xi32, #tpu.memory_space<vmem>> -> memref<64xi32, #tpu.memory_space<vmem>>
        %dma_start3A_207 = arith.constant 0 : i32
        %dma_start3A_208 = arith.constant 0 : i32
        %dma_start3A_209 = tpu.memref_slice %arg3[%dma_start3A_207, %dma_start3A_208] : memref<100000x128xf32, #tpu.memory_space<hbm>> -> memref<100000x128xf32, #tpu.memory_space<hbm>>
        tpu.enqueue_indirect_dma source(%dma_start3A_209 : memref<100000x128xf32, #tpu.memory_space<hbm>>) target(%arg13 : memref<64x128xf32, #tpu.memory_space<vmem>>) offsets(%dma_start3A_206 : memref<64xi32, #tpu.memory_space<vmem>>) semaphore(%arg15 : memref<!tpu.dma_semaphore, #tpu.memory_space<semaphore_mem>>)
      } else {
      }
      %mul3A_154 = arith.constant 64 : i32
      %mul3A_155 = arith.muli %add3A_146, %mul3A_154 : i32
      %dma_wait3A_156 = arith.constant 0 : i32
      %dma_wait3A_157 = arith.constant 0 : i32
      %dma_wait3A_158 = tpu.memref_slice %arg12[%dma_wait3A_156, %dma_wait3A_157] : memref<64x300xf32, #tpu.memory_space<vmem>> -> memref<64x128xf32, #tpu.memory_space<vmem>>
      %dma_wait3A_159 = tpu.memref_slice %arg10[%mul3A_155] : memref<512xi32, #tpu.memory_space<vmem>> -> memref<64xi32, #tpu.memory_space<vmem>>
      %dma_wait3A_160 = arith.constant 0 : i32
      %dma_wait3A_161 = arith.constant 0 : i32
      %dma_wait3A_162 = tpu.memref_slice %arg2[%dma_wait3A_160, %dma_wait3A_161] : memref<100000x300xf32, #tpu.memory_space<hbm>> -> memref<100000x128xf32, #tpu.memory_space<hbm>>
      tpu.wait_indirect_dma semaphore(%arg16 : memref<!tpu.dma_semaphore, #tpu.memory_space<semaphore_mem>>) src(%dma_wait3A_162 : memref<100000x128xf32, #tpu.memory_space<hbm>>) dst(%dma_wait3A_158 : memref<64x128xf32, #tpu.memory_space<vmem>>)
      %dma_wait3A_163 = arith.constant 0 : i32
      %dma_wait3A_164 = arith.constant 128 : i32
      %dma_wait3A_165 = tpu.memref_slice %arg12[%dma_wait3A_163, %dma_wait3A_164] : memref<64x300xf32, #tpu.memory_space<vmem>> -> memref<64x128xf32, #tpu.memory_space<vmem>>
      %dma_wait3A_166 = tpu.memref_slice %arg10[%mul3A_155] : memref<512xi32, #tpu.memory_space<vmem>> -> memref<64xi32, #tpu.memory_space<vmem>>
      %dma_wait3A_167 = arith.constant 0 : i32
      %dma_wait3A_168 = arith.constant 128 : i32
      %dma_wait3A_169 = tpu.memref_slice %arg2[%dma_wait3A_167, %dma_wait3A_168] : memref<100000x300xf32, #tpu.memory_space<hbm>> -> memref<100000x128xf32, #tpu.memory_space<hbm>>
      tpu.wait_indirect_dma semaphore(%arg16 : memref<!tpu.dma_semaphore, #tpu.memory_space<semaphore_mem>>) src(%dma_wait3A_169 : memref<100000x128xf32, #tpu.memory_space<hbm>>) dst(%dma_wait3A_165 : memref<64x128xf32, #tpu.memory_space<vmem>>)
      %dma_wait3A_170 = tpu.memref_slice %arg10[%mul3A_155] : memref<512xi32, #tpu.memory_space<vmem>> -> memref<64xi32, #tpu.memory_space<vmem>>
      %dma_wait3A_171 = arith.constant 0 : i32
      %dma_wait3A_172 = arith.constant 0 : i32
      %dma_wait3A_173 = tpu.memref_slice %arg3[%dma_wait3A_171, %dma_wait3A_172] : memref<100000x128xf32, #tpu.memory_space<hbm>> -> memref<100000x128xf32, #tpu.memory_space<hbm>>
      tpu.wait_indirect_dma semaphore(%arg16 : memref<!tpu.dma_semaphore, #tpu.memory_space<semaphore_mem>>) src(%dma_wait3A_173 : memref<100000x128xf32, #tpu.memory_space<hbm>>) dst(%arg14 : memref<64x128xf32, #tpu.memory_space<vmem>>)
      %scan3A_174 = arith.constant 0 : i32
      %scan3A_175 = arith.constant 64 : i32
      %scan3A_176 = arith.addi %scan3A_174, %scan3A_175 : i32
      %scan3A_177 = arith.constant 1 : i32
      scf.for %scan3A_186 = %scan3A_174 to %scan3A_176 step %scan3A_177  : i32 {
        %mul3A_187 = arith.constant 1 : i32
        %mul3A_188 = arith.muli %scan3A_186, %mul3A_187 : i32
        %add3A_189 = arith.constant 0 : i32
        %add3A_190 = arith.addi %add3A_189, %mul3A_188 : i32
        %get3A = arith.index_cast %add3A_190 : i32 to index
        %get3A_191 = arith.constant 84 : index
        %get3A_192 = tpu.vector_load %arg14[%get3A, %get3A_191] {strides = array<i32>} : memref<64x128xf32, #tpu.memory_space<vmem>>, vector<16xf32>,
        %swap3A = arith.index_cast %add3A_190 : i32 to index
        %swap3A_193 = arith.constant 256 : index
        %swap3A_194 = tpu.vector_load %arg12[%swap3A, %swap3A_193] {strides = array<i32>} : memref<64x300xf32, #tpu.memory_space<vmem>>, vector<16xf32>,
        tpu.vector_store %arg12[%swap3A, %swap3A_193], %get3A_192 {strides = array<i32>} : memref<64x300xf32, #tpu.memory_space<vmem>>, vector<16xf32>,
        %get3A_195 = arith.index_cast %add3A_190 : i32 to index
        %get3A_196 = arith.constant 100 : index
        %get3A_197 = tpu.vector_load %arg14[%get3A_195, %get3A_196] {strides = array<i32>} : memref<64x128xf32, #tpu.memory_space<vmem>>, vector<16xf32>,
        %swap3A_198 = arith.index_cast %add3A_190 : i32 to index
        %swap3A_199 = arith.constant 272 : index
        %swap3A_200 = tpu.vector_load %arg12[%swap3A_198, %swap3A_199] {strides = array<i32>} : memref<64x300xf32, #tpu.memory_space<vmem>>, vector<16xf32>,
        tpu.vector_store %arg12[%swap3A_198, %swap3A_199], %get3A_197 {strides = array<i32>} : memref<64x300xf32, #tpu.memory_space<vmem>>, vector<16xf32>,
        %get3A_201 = arith.index_cast %add3A_190 : i32 to index
        %get3A_202 = arith.constant 112 : index
        %get3A_203 = tpu.vector_load %arg14[%get3A_201, %get3A_202] {strides = array<i32>} : memref<64x128xf32, #tpu.memory_space<vmem>>, vector<16xf32>,
        %swap3A_204 = arith.index_cast %add3A_190 : i32 to index
        %swap3A_205 = arith.constant 284 : index
        %swap3A_206 = tpu.vector_load %arg12[%swap3A_204, %swap3A_205] {strides = array<i32>} : memref<64x300xf32, #tpu.memory_space<vmem>>, vector<16xf32>,
        tpu.vector_store %arg12[%swap3A_204, %swap3A_205], %get3A_203 {strides = array<i32>} : memref<64x300xf32, #tpu.memory_space<vmem>>, vector<16xf32>,
      }
      %scan3A_178 = arith.constant 64 : i32
      %mul3A_179 = arith.constant 64 : i32
      %mul3A_180 = arith.muli %add3A_146, %mul3A_179 : i32
      %add3A_181 = arith.addi %mul3A_2, %mul3A_180 : i32
      %dma_start3A_182 = arith.constant 0 : i32
      %dma_start3A_183 = tpu.memref_slice %arg9[%add3A_181, %dma_start3A_182] : memref<16384x300xf32, #tpu.memory_space<hbm>> -> memref<64x300xf32, #tpu.memory_space<hbm>>
      %dma_start3A_184 = arith.constant 0 : i32
      %dma_start3A_185 = tpu.memref_slice %arg9[%add3A_181, %dma_start3A_184] : memref<16384x300xf32, #tpu.memory_space<hbm>> -> memref<64x300xf32, #tpu.memory_space<hbm>>
      tpu.enqueue_dma source(%arg12 : memref<64x300xf32, #tpu.memory_space<vmem>>) target(%dma_start3A_185 : memref<64x300xf32, #tpu.memory_space<hbm>>) target_semaphore(%arg18 : memref<!tpu.dma_semaphore, #tpu.memory_space<semaphore_mem>>)
    }
    %scan3A_93 = arith.constant 4 : i32
    %dma_wait3A_94 = arith.constant 0 : i32
    %dma_wait3A_95 = tpu.memref_slice %arg9[%mul3A_2, %dma_wait3A_94] : memref<16384x300xf32, #tpu.memory_space<hbm>> -> memref<64x300xf32, #tpu.memory_space<hbm>>
    %dma_wait3A_96 = arith.constant 0 : i32
    %dma_wait3A_97 = tpu.memref_slice %arg9[%mul3A_2, %dma_wait3A_96] : memref<16384x300xf32, #tpu.memory_space<hbm>> -> memref<64x300xf32, #tpu.memory_space<hbm>>
    tpu.wait_dma2 semaphore(%arg17 : memref<!tpu.dma_semaphore, #tpu.memory_space<semaphore_mem>>) src(%arg11 : memref<64x300xf32, #tpu.memory_space<vmem>>) dst(%dma_wait3A_97 : memref<64x300xf32, #tpu.memory_space<hbm>>)
    %dma_wait3A_98 = arith.constant 0 : i32
    %dma_wait3A_99 = tpu.memref_slice %arg9[%mul3A_2, %dma_wait3A_98] : memref<16384x300xf32, #tpu.memory_space<hbm>> -> memref<64x300xf32, #tpu.memory_space<hbm>>
    %dma_wait3A_100 = arith.constant 0 : i32
    %dma_wait3A_101 = tpu.memref_slice %arg9[%mul3A_2, %dma_wait3A_100] : memref<16384x300xf32, #tpu.memory_space<hbm>> -> memref<64x300xf32, #tpu.memory_space<hbm>>
    tpu.wait_dma2 semaphore(%arg18 : memref<!tpu.dma_semaphore, #tpu.memory_space<semaphore_mem>>) src(%arg12 : memref<64x300xf32, #tpu.memory_space<vmem>>) dst(%dma_wait3A_101 : memref<64x300xf32, #tpu.memory_space<hbm>>)
    return
  }
}

</mosaic_0001>

<sc_bundles>
// kernel: kernel.3.cloned.1.call-start
scs
__scs_entry_jumppad:
0x0: {  	(pc) =	sbr.rel $0x88, $3  }
0x1: {  	(tag) =	ssettag $0x0;
	lr =	simm.s32 $0x1  }
0x2: {  	[smem:$0x3F9D] =	sst lr;
	_ =	strace $0xD0000000  }
0x3: {  	_ = 	snop  }
0x4: {  	_ = 	snop  }
0x5: {  	_ = 	snop  }
0x6: {  	_ = 	snop  }
0x7: {  	_ = 	snop  }
__scs_overlays_trampoline_lowered:
0x8: {  	[smem:$0x3FAC] =	sst s0  }
0x9: {  	[smem:$0x3FAD] =	sst s1  }
0xa: {  	[smem:$0x3FAE] =	sst s2  }
0xb: {  	[smem:$0x3FAF] =	sst s3  }
0xc: {  	[smem:$0x3FB0] =	sst s4  }
0xd: {  	[smem:$0x3FB1] =	sst s5  }
0xe: {  	[smem:$0x3FB2] =	sst s6  }
0xf: {  	[smem:$0x3FB3] =	sst s7  }
0x10: {  	[smem:$0x3FB4] =	sst s8  }
0x11: {  	[smem:$0x3FB5] =	sst s9;
	s0 =	simm.s32 @!p0 $0x0  }
0x12: {  	s1 =	sld [smem:$0x3F9B];
	s0 =	simm.s32 @p0 $0x1  }
0x13: {  	[smem:$0x3FB6] =	sst s0;
	s0 =	simm.s32 @!p1 $0x0  }
0x14: {  	s2 =	sld [smem:$0x3F9A];
	s0 =	simm.s32 @p1 $0x1  }
0x15: {  	[smem:$0x3FB7] =	sst s0;
	s0 =	simm.s32 @!p2 $0x0  }
0x16: {  	s3 =	sld [smem:$0x3FDB];
	s0 =	simm.s32 @p2 $0x1  }
0x17: {  	s4 =	simm.s32 $0x1BF5;
	[smem:$0x3FB9] =	sst s0  }
0x18: {  	s0 =	sld [smem:$0x3F9C];
	_ =	swait.ge [sflag:s4], $0x0  }
0x19: {  	s7 =	sld [smem:$0x3F9D]  }
0x1a: {  	s8 =	sadd.s32 $0xFFFFE003, lr  }
0x1b: {  	s9 =	sadd.s32 $0xFFFFFEF7, lr;
	s5 =	simm.s32 $0xFFFFFFFF;
	p2 =	slt.u32 s8, $0xFFFFF086  }
0x1c: {  	p1 =	slt.u32 s9, $0xF7A;
	s5 =	simm.s32 @!p2 $0x0  }
0x1d: {  	s5 =	simm.s32 @p1 $0x1;
	p0 =	seq.s32 s7, s2  }
0x1e: {  	s7 =	smul.u32 @!p0 $0xF7A, s2;
	p2 =	seq.s32 @!p0 s5, $0x0  }
0x1f: {  	s9 =	smul.u32 $0xF7A, s1;
	s8 =	simm.s32 @!p0 $0x1BF5;
	p2 =	por !p2, p0  }
0x20: {  	[sflag:s8] =	ssyncset.s32 @!p0 $0xFFFFF086;
	s6 =	sadd.s32 @!p0 s3, s7;
	s7 =	simm.s32 @!p0 $0x108  }
0x21: {  	s3 =	sadd.s32 s3, s9;
	s6 =	sadd.s32 @!p0 $0x88, s6;
	s7 =	simm.s32 @p2 $0x1082  }
0x22: {  	[simem:s7], [sflag:s8] =	dma.local @!p0 [hbm:s6], $0xF7A  }
0x23: {  	s9 =	sor.u32 $0xD0000000, s2;
	s6 =	simm.s32 $0x108;
	_ =	swait.ge @!p0 [sflag:s8], $0x0  }
0x24: {  	s3 =	sadd.s32 $0x88, s3;
	s6 =	simm.s32 @!p1 $0x1082;
	[sflag:s4] =	ssyncset.s32 $0xFFFFF086  }
0x25: {  	[simem:s6], [sflag:s4] =	dma.local [hbm:s3], $0xF7A  }
0x26: {  	[smem:$0x3F9D] =	sst s1;
	(tag) =	ssettag s2;
	_ =	strace s9  }
0x27: {  	s1 =	sld [smem:$0x3FAD]  }
0x28: {  	s2 =	sld [smem:$0x3FAE]  }
0x29: {  	s4 =	sld [smem:$0x3FB0]  }
0x2a: {  	p0 =	seq.s32 s5, $0x0;
	s5 =	sld [smem:$0x3FB1]  }
0x2b: {  	s6 =	sld [smem:$0x3FB2]  }
0x2c: {  	s7 =	sld [smem:$0x3FB3]  }
0x2d: {  	s3 =	simm.s32 $0x108;
	s8 =	sld [smem:$0x3FB4]  }
0x2e: {  	s3 =	simm.s32 @!p0 $0x1082;
	s9 =	sld [smem:$0x3FB5]  }
0x2f: {  	lr =	sadd.s32 s0, s3;
	s0 =	sld [smem:$0x3FAC]  }
0x30: {  	s3 =	sld [smem:$0x3FAF]  }
0x31: {  	[smem:$0x3FB8] =	sst s10  }
0x32: {  	s10 =	sld [smem:$0x3FB6];
	_ =	sdelay $0x3  }
0x33: {  	p0 =	seq.s32 s10, $0x1;
	s10 =	sld [smem:$0x3FB8];
	_ =	sdelay $0x3  }
0x34: {  	[smem:$0x3FB8] =	sst s10  }
0x35: {  	s10 =	sld [smem:$0x3FB7];
	_ =	sdelay $0x3  }
0x36: {  	p1 =	seq.s32 s10, $0x1;
	s10 =	sld [smem:$0x3FB8];
	_ =	sdelay $0x3  }
0x37: {  	[smem:$0x3FB8] =	sst s10  }
0x38: {  	s10 =	sld [smem:$0x3FB9]  }
0x39: {  	_ = 	snop;
	(pc) =	sbr.ind lr, $3  }
0x3a: {  	_ = 	snop  }
0x3b: {  	_ = 	snop  }
0x3c: {  	p2 =	seq.s32 s10, $0x1;
	s10 =	sld [smem:$0x3FB8]  }
0x3d: {  	_ =	shalt  }
0x3e: {  	_ =	shalt  }
0x3f: {  	_ =	shalt  }
0x40: {  	_ =	shalt  }
0x41: {  	_ =	shalt  }
0x42: {  	_ =	shalt  }
0x43: {  	_ =	shalt  }
0x44: {  	_ =	shalt  }
0x45: {  	_ =	shalt  }
0x46: {  	_ =	shalt  }
0x47: {  	_ =	shalt  }
0x48: {  	_ =	shalt  }
0x49: {  	_ =	shalt  }
0x4a: {  	_ =	shalt  }
0x4b: {  	_ =	shalt  }
0x4c: {  	_ =	shalt  }
0x4d: {  	_ =	shalt  }
0x4e: {  	_ =	shalt  }
0x4f: {  	_ =	shalt  }
0x50: {  	_ =	shalt  }
0x51: {  	_ =	shalt  }
0x52: {  	_ =	shalt  }
0x53: {  	_ =	shalt  }
0x54: {  	_ =	shalt  }
0x55: {  	_ =	shalt  }
0x56: {  	_ =	shalt  }
0x57: {  	_ =	shalt  }
0x58: {  	_ =	shalt  }
0x59: {  	_ =	shalt  }
0x5a: {  	_ =	shalt  }
0x5b: {  	_ =	shalt  }
0x5c: {  	_ =	shalt  }
0x5d: {  	_ =	shalt  }
0x5e: {  	_ =	shalt  }
0x5f: {  	_ =	shalt  }
0x60: {  	_ =	shalt  }
0x61: {  	_ =	shalt  }
0x62: {  	_ =	shalt  }
0x63: {  	_ =	shalt  }
0x64: {  	_ =	shalt  }
0x65: {  	_ =	shalt  }
0x66: {  	_ =	shalt  }
0x67: {  	_ =	shalt  }
0x68: {  	_ =	shalt  }
0x69: {  	_ =	shalt  }
0x6a: {  	_ =	shalt  }
0x6b: {  	_ =	shalt  }
0x6c: {  	_ =	shalt  }
0x6d: {  	_ =	shalt  }
0x6e: {  	_ =	shalt  }
0x6f: {  	_ =	shalt  }
0x70: {  	_ =	shalt  }
0x71: {  	_ =	shalt  }
0x72: {  	_ =	shalt  }
0x73: {  	_ =	shalt  }
0x74: {  	_ =	shalt  }
0x75: {  	_ =	shalt  }
0x76: {  	_ =	shalt  }
0x77: {  	_ =	shalt  }
0x78: {  	_ =	shalt  }
0x79: {  	_ =	shalt  }
0x7a: {  	_ =	shalt  }
0x7b: {  	_ =	shalt  }
0x7c: {  	_ =	shalt  }
0x7d: {  	_ =	shalt  }
0x7e: {  	_ =	shalt  }
0x7f: {  	_ =	shalt  }
0x80: {  	_ =	shalt  }
0x81: {  	_ =	shalt  }
0x82: {  	_ =	shalt  }
0x83: {  	_ =	shalt  }
0x84: {  	_ =	shalt  }
0x85: {  	_ =	shalt  }
0x86: {  	_ =	shalt  }
0x87: {  	_ =	shalt  }
.Lfunc_end0:
.L_simem_size_0:
called_computation_lowered:
.L_overlay_start_0:
0x88: {  	s2 =	sld [smem:$0x3FD9]  }
0x89: {  	s3 =	sld [smem:$0x3FFE];
	_ =	sdelay $0x1  }
0x8a: {  	s1 =	srdreg.scid  }
0x8b: {  	s0 =	sand.u32 $0x1, s1  }
0x8c: {  	s17 =	sshll.u32 s0, $0xA;
	s2 =	sadd.s32 s3, s2  }
0x8d: {  	s2 =	sadd.s32 s2, s17  }
0x8e: {  	[smem:$0x3FC4] =	sst s2  }
0x8f: {  	_ = 	snop  }
0x90: {  	s2 =	sld [smem:$0x3FC8]  }
0x91: {  	s18 =	sld [smem:$0x3FC7]  }
0x92: {  	s4 =	sld [smem:$0x3FC6];
	(tm) =	ssettm $0x1  }
0x93: {  	s5 =	sld [smem:$0x3FFB];
	_ =	sdelay $0x3  }
0x94: {  	_ =	strace s5  }
0x95: {  	s5 =	sld [smem:$0x3FFC];
	_ =	sdelay $0x3  }
0x96: {  	_ =	strace s5  }
0x97: {  	s5 =	sld [smem:$0x3FFD];
	_ =	sdelay $0x3  }
0x98: {  	_ =	strace s5  }
0x99: {  	_ =	strace $0x8FFFFFFF  }
0x9a: {  	s19 =	sld [smem:$0x3FDB];
	_ =	sdelay $0x1  }
0x9b: {  	s6 =	simm.s32 $_scs_section_size  }
0x9c: {  	s7 =	simm.s32 $_size__tile_overlayer_lowered;
	s8 =	simm.s32 $_tile_overlayer_lowered  }
0x9d: {  	s22 =	simm.s32 $0x1BFF;
	s21 =	sshll.u32 s8, $0x1;
	s5 =	sadd.s32 s6, s19  }
0x9e: {  	s9 =	simm.s32 $0x0;
	s20 =	sshll.u32 s7, $0x1;
	s7 =	sadd.s32 s21, s5  }
0x9f: {  	[timem:s9], [sflag:s22] =	dma.local [hbm:s7], s20  }
0xa0: {  	_ =	swait.ge [sflag:s22], s20  }
0xa1: {  	s6 =	ssub.s32 $0x0, s20;
	[sflag:s22] =	ssyncset.done $0x0  }
0xa2: {  	[sflag:s22] =	ssyncadd.s32 s6;
	_ =	sdelay $0x1  }
0xa3: {  	s23 =	simm.s32 $0x1B8B  }
0xa4: {  	_ =	swait.ge [sflag:s23], $0x1  }
0xa5: {  	[sflag:s23] =	ssyncset.done $0x0  }
0xa6: {  	s25 =	simm.s32 $0x1B8E;
	s24 =	sld [smem:$0x3FFE];
	[sflag:s23] =	ssyncadd.s32 $0xFFFFFFFF  }
0xa7: {  	s26 =	simm.s32 $execute0_lowered;
	[smem:$0x3FD2] =	sst s25  }
0xa8: {  	s7 =	sshll.u32 s26, $0x1;
	_ =	strace $0x80000046;
	[dreg:$0x1] =	wrdreg $0xFFFFFFFF  }
0xa9: {  	s28 =	simm.s32 $_size_execute0_lowered;
	s5 =	sadd.s32 s5, s7;
	[dreg:$0x0] =	wrdreg $0x0  }
0xaa: {  	s7 =	sshll.u32 s28, $0x1;
	[dreg:$0x2] =	wrdreg s5  }
0xab: {  	[dreg:$0x3] =	wrdreg s7  }
0xac: {  	[dreg:$0x4] =	wrdreg $0xC0  }
0xad: {  	_ =	task [dreg:s9], $0x5FFFF  }
0xae: {  	[dreg:$0x1] =	wrdreg $0xFFFFFFFF  }
0xaf: {  	[dreg:$0x0] =	wrdreg $0x60  }
0xb0: {  	[dreg:$0x2] =	wrdreg s24  }
0xb1: {  	[dreg:$0x3] =	wrdreg s2  }
0xb2: {  	[dreg:$0x4] =	wrdreg s18  }
0xb3: {  	[dreg:$0x5] =	wrdreg s4  }
0xb4: {  	[dreg:$0x6] =	wrdreg $0x9  }
0xb5: {  	_ =	task.clear_ibuf [dreg:s9], $0x7FFFF;
	_ =	strace $0x90000046  }
0xb6: {  	s29 =	simm.s32 $0x9;
	_ =	strace $0x80000048  }
0xb7: {  	_ =	swait.ge [sflag:s29], $0x1  }
0xb8: {  	[sflag:s29] =	ssyncadd.s32 $0xFFFFFFFF  }
0xb9: {  	_ =	strace $0x90000048  }
0xba: {  	_ =	sfence  }
0xbb: {  	s30 =	sld [smem:$0x0];
	_ =	sdelay $0x2  }
0xbc: {  	s31 =	sshll.u32 s1, $0xD;
	s1 =	sshrl.u32 s1, $0x2  }
0xbd: {  	s3 =	sand.u32 $0x4000, s31;
	s1 =	sadd.s32 s1, s30  }
0xbe: {  	s0 =	sor.u32 s3, s0;
	s1 =	sshll.u32 s1, $0x11  }
0xbf: {  	s0 =	sor.u32 s1, s0  }
0xc0: {  	s0 =	sadd.s32 $0x8F2B, s0  }
0xc1: {  	[sflag:s0] =	ssyncadd.remote.s32 $0x1  }
0xc2: {  	_ =	sfence.sel $0xFFFF  }
0xc3: {  	[dreg:$0x0] =	wrdreg $0xFFFFFFFF;
	(pc) =	sbr.abs _section_cstart, $3  }
0xc4: {  	[dreg:$0x1] =	wrdreg $0xFFFFFFFF  }
0xc5: {  	_ =	task.clear_ibuf [dreg:s9], $0x2FFFF;
	_ =	strace $0x9FFFFFFF  }
0xc6: {  	(tm) =	ssettm $0x7FFFFFFF  }
0xc7: {  	_ =	shalt  }
tec
execute0_lowered:
.L_overlay_start_1:
0x0: {  	(tag) =	ssettag $0x1  }
0x1: {  	s0 =	rddreg [dreg:$0x0]  }
0x2: {  	s2 =	rddreg [dreg:$0x1]  }
0x3: {  	s9 =	rddreg [dreg:$0x2]  }
0x4: {  	s11 =	rddreg [dreg:$0x3];
	s1 =	simm.s32 $0x0  }
0x5: {  	s4 =	srdreg.scid;
	s5 =	stileid.u32;
	s15 =	simm.s32 $0x200  }
0x6: {  	s19 =	simm.s32 $0x6600;
	s20 =	simm.s32 $0x7200;
	s21 =	simm.s32 $0x7E00  }
0x7: {  	s22 =	simm.s32 $0x8A00;
	s23 =	simm.s32 $0x9600;
	s28 =	simm.s32 $0xE200  }
0x8: {  	s29 =	simm.s32 $0x1;
	s30 =	simm.s32 $0x2;
	s31 =	simm.s32 $0x3  }
0x9: {  	[smem:$0x7FF] =	sst s1;
	s3 =	sadd.s32 $0x2000, s0;
	s6 =	sand.u32 $0x1, s4  }
0xa: {  	s4 =	sadd.s32 $0x495E00, s0;
	s7 =	sshll.u32 s5, $0xA;
	s8 =	sshll.u32 s6, $0x9  }
0xb: {  	s5 =	sadd.s32 $0x61C800, s0;
	s10 =	ssub.s32 $0x2, s6;
	s6 =	sor.u32 s8, s7  }
0xc: {  	_ =	strace $0x80000047;
	s7 =	sadd.s32 $0x6DC800, s0;
	s13 =	sshrl.u32 s6, $0x3  }
0xd: {  	s12 =	sshrl.u32 s10, $0x1;
	s8 =	sadd.s32 $0x79C800, s0;
	s2 =	sadd.s32 s2, s13  }
0xe: {  	s12 =	ssub.s32 s10, s12;
	s24 =	sadd.s32 s9, s13;
	[dreg:$0x5] =	wrdreg s2  }
0xf: {  	s10 =	sadd.s32 $0x2080, s0;
	s25 =	sadd.s32 s11, s13;
	[dreg:$0x6] =	wrdreg s24  }
0x10: {  	v2 =	vlaneseq.u32;
	s0 =	simm.s32 $0x40;
	s26 =	smax.u32 s12, $0x1;
	[dreg:$0x7] =	wrdreg s25  }
0x11: {  	vm0 =	vmmov $0xff;
	v1 =	vshrl.u32 v2, $0x3;
	s9 =	simm.s32 $0x6200;
	s12 =	simm.s32 $0x0;
	[dreg:$0x8] =	wrdreg s26  }
0x12: {  	v0 =	vand.u32 $0x7, v2;
	v2 =	vor.u32 $0x8, v2;
	v1 =	vmul.u32 $0x8, v1;
	s24 =	simm.s32 $0xA200;
	s25 =	simm.s32 $0xAE00;
	s26 =	simm.s32 $0xBA00  }
.LBB2_1:
0x13: {  	[dreg:$0x9] =	wrdreg s12  }
0x14: {  	s2 =	rddreg [dreg:$0x5];
	s16 =	simm.s32 $0x5  }
0x15: {  	[tilespmem:s1], [sflag:$0x5] =	stream.linear.gather [hbm4b:s2+s1], $0x200, $0x38;
	[tilespmem:$0x10200] =	vst v63  }
0x16: {  	_ =	swait.ge [sflag:s16], $0x200  }
0x17: {  	[sflag:s16] =	ssyncset.done $0x0  }
0x18: {  	[sflag:s16] =	ssyncadd.s32 $0xFFFFFE00  }
0x19: {  	v3 =	vld [tilespmem:$0x0];
	_ =	sdelay $0x4  }
0x1a: {  	v4 =	vshrl.u32 v3, $0x3  }
0x1b: {  	v4 =	vmul.u32 $0x18, v4  }
0x1c: {  	v3 =	vand.u32 $0x7, v3  }
0x1d: {  	v3 =	vor.u32 v3, v4  }
0x1e: {  	v4 =	vperm.xlane v3, v0;
	_ =	sdelay $0x1  }
0x1f: {  	v3 =	vperm.xlane v3, v2;
	v4 =	vadd.s32 v1, v4;
	_ =	sdelay $0x1  }
0x20: {  	v3 =	vadd.s32 v1, v3;
	_ =	sdelay $0x2  }
0x21: {  	[tilespmem:s15], [sflag:$0x1] =	stream.indirect_vreg.gather [hbm4b:s3+s1], $0x80, v4, vm0, $0xb8;
	[tilespmem:$0x10200] =	vst v63  }
0x22: {  	s17 =	simm.s32 $0xE00  }
0x23: {  	[tilespmem:s17], [sflag:$0x1] =	stream.indirect_vreg.gather [hbm4b:s3+s1], $0x80, v3, vm0, $0xb8;
	[tilespmem:$0x10200] =	vst v63  }
0x24: {  	v3 =	vld [tilespmem:$0x10];
	_ =	sdelay $0x4  }
0x25: {  	v57 =	vshrl.u32 v3, $0x3  }
0x26: {  	v4 =	vmul.u32 $0x18, v57  }
0x27: {  	v3 =	vand.u32 $0x7, v3  }
0x28: {  	v3 =	vor.u32 v3, v4  }
0x29: {  	v4 =	vperm.xlane v3, v0;
	_ =	sdelay $0x1  }
0x2a: {  	v3 =	vperm.xlane v3, v2;
	v4 =	vadd.s32 v1, v4;
	_ =	sdelay $0x1  }
0x2b: {  	v3 =	vadd.s32 v1, v3;
	_ =	sdelay $0x1  }
0x2c: {  	s18 =	simm.s32 $0x1A00  }
0x2d: {  	[tilespmem:s18], [sflag:$0x1] =	stream.indirect_vreg.gather [hbm4b:s3+s1], $0x80, v4, vm0, $0xb8;
	[tilespmem:$0x10200] =	vst v63  }
0x2e: {  	s11 =	simm.s32 $0x2600  }
0x2f: {  	[tilespmem:s11], [sflag:$0x1] =	stream.indirect_vreg.gather [hbm4b:s3+s1], $0x80, v3, vm0, $0xb8;
	[tilespmem:$0x10200] =	vst v63  }
0x30: {  	v3 =	vld [tilespmem:$0x20];
	_ =	sdelay $0x4  }
0x31: {  	v58 =	vshrl.u32 v3, $0x3  }
0x32: {  	v4 =	vmul.u32 $0x18, v58  }
0x33: {  	v3 =	vand.u32 $0x7, v3  }
0x34: {  	v3 =	vor.u32 v3, v4  }
0x35: {  	v4 =	vperm.xlane v3, v0;
	_ =	sdelay $0x1  }
0x36: {  	v3 =	vperm.xlane v3, v2;
	v4 =	vadd.s32 v1, v4;
	_ =	sdelay $0x1  }
0x37: {  	v3 =	vadd.s32 v1, v3;
	_ =	sdelay $0x1  }
0x38: {  	s12 =	simm.s32 $0x3200  }
0x39: {  	[tilespmem:s12], [sflag:$0x1] =	stream.indirect_vreg.gather [hbm4b:s3+s1], $0x80, v4, vm0, $0xb8;
	[tilespmem:$0x10200] =	vst v63  }
0x3a: {  	s13 =	simm.s32 $0x3E00  }
0x3b: {  	[tilespmem:s13], [sflag:$0x1] =	stream.indirect_vreg.gather [hbm4b:s3+s1], $0x80, v3, vm0, $0xb8;
	[tilespmem:$0x10200] =	vst v63  }
0x3c: {  	v3 =	vld [tilespmem:$0x30];
	_ =	sdelay $0x4  }
0x3d: {  	v59 =	vshrl.u32 v3, $0x3  }
0x3e: {  	v4 =	vmul.u32 $0x18, v59  }
0x3f: {  	v3 =	vand.u32 $0x7, v3  }
0x40: {  	v3 =	vor.u32 v3, v4  }
0x41: {  	v4 =	vperm.xlane v3, v0;
	_ =	sdelay $0x1  }
0x42: {  	v3 =	vperm.xlane v3, v2;
	v4 =	vadd.s32 v1, v4;
	_ =	sdelay $0x1  }
0x43: {  	v3 =	vadd.s32 v1, v3;
	_ =	sdelay $0x1  }
0x44: {  	s14 =	simm.s32 $0x4A00  }
0x45: {  	[tilespmem:s14], [sflag:$0x1] =	stream.indirect_vreg.gather [hbm4b:s3+s1], $0x80, v4, vm0, $0xb8;
	[tilespmem:$0x10200] =	vst v63  }
0x46: {  	s16 =	simm.s32 $0x5600  }
0x47: {  	[tilespmem:s16], [sflag:$0x1] =	stream.indirect_vreg.gather [hbm4b:s3+s1], $0x80, v3, vm0, $0xb8;
	[tilespmem:$0x10200] =	vst v63  }
0x48: {  	v3 =	vld [tilespmem:$0x0];
	_ =	sdelay $0x4  }
0x49: {  	v60 =	vshrl.u32 v3, $0x3  }
0x4a: {  	v4 =	vmul.u32 $0x18, v60  }
0x4b: {  	v3 =	vand.u32 $0x7, v3  }
0x4c: {  	v3 =	vor.u32 v3, v4  }
0x4d: {  	v4 =	vperm.xlane v3, v0;
	_ =	sdelay $0x1  }
0x4e: {  	v3 =	vperm.xlane v3, v2;
	v4 =	vadd.s32 v1, v4;
	_ =	sdelay $0x1  }
0x4f: {  	v3 =	vadd.s32 v1, v3;
	_ =	sdelay $0x1  }
0x50: {  	s17 =	simm.s32 $0x600  }
0x51: {  	[tilespmem:s17], [sflag:$0x1] =	stream.indirect_vreg.gather [hbm4b:s10+s1], $0x80, v4, vm0, $0xb8;
	[tilespmem:$0x10200] =	vst v63  }
0x52: {  	s18 =	simm.s32 $0x1200  }
0x53: {  	[tilespmem:s18], [sflag:$0x1] =	stream.indirect_vreg.gather [hbm4b:s10+s1], $0x80, v3, vm0, $0xb8;
	[tilespmem:$0x10200] =	vst v63  }
0x54: {  	v3 =	vld [tilespmem:$0x10];
	_ =	sdelay $0x4  }
0x55: {  	v61 =	vshrl.u32 v3, $0x3  }
0x56: {  	v4 =	vmul.u32 $0x18, v61  }
0x57: {  	v3 =	vand.u32 $0x7, v3  }
0x58: {  	v3 =	vor.u32 v3, v4  }
0x59: {  	v4 =	vperm.xlane v3, v0;
	_ =	sdelay $0x1  }
0x5a: {  	v3 =	vperm.xlane v3, v2;
	v4 =	vadd.s32 v1, v4;
	_ =	sdelay $0x1  }
0x5b: {  	v3 =	vadd.s32 v1, v3;
	_ =	sdelay $0x1  }
0x5c: {  	s11 =	simm.s32 $0x1E00  }
0x5d: {  	[tilespmem:s11], [sflag:$0x1] =	stream.indirect_vreg.gather [hbm4b:s10+s1], $0x80, v4, vm0, $0xb8;
	[tilespmem:$0x10200] =	vst v63  }
0x5e: {  	s12 =	simm.s32 $0x2A00  }
0x5f: {  	[tilespmem:s12], [sflag:$0x1] =	stream.indirect_vreg.gather [hbm4b:s10+s1], $0x80, v3, vm0, $0xb8;
	[tilespmem:$0x10200] =	vst v63  }
0x60: {  	v3 =	vld [tilespmem:$0x20];
	_ =	sdelay $0x4  }
0x61: {  	v62 =	vshrl.u32 v3, $0x3  }
0x62: {  	v4 =	vmul.u32 $0x18, v62  }
0x63: {  	v3 =	vand.u32 $0x7, v3  }
0x64: {  	v3 =	vor.u32 v3, v4  }
0x65: {  	v4 =	vperm.xlane v3, v0;
	_ =	sdelay $0x1  }
0x66: {  	v3 =	vperm.xlane v3, v2;
	v4 =	vadd.s32 v1, v4;
	_ =	sdelay $0x1  }
0x67: {  	v3 =	vadd.s32 v1, v3;
	_ =	sdelay $0x1  }
0x68: {  	s13 =	simm.s32 $0x3600  }
0x69: {  	[tilespmem:s13], [sflag:$0x1] =	stream.indirect_vreg.gather [hbm4b:s10+s1], $0x80, v4, vm0, $0xb8;
	[tilespmem:$0x10200] =	vst v63  }
0x6a: {  	s14 =	simm.s32 $0x4200  }
0x6b: {  	[tilespmem:s14], [sflag:$0x1] =	stream.indirect_vreg.gather [hbm4b:s10+s1], $0x80, v3, vm0, $0xb8;
	[tilespmem:$0x10200] =	vst v63  }
0x6c: {  	v3 =	vld [tilespmem:$0x30];
	_ =	sdelay $0x4  }
0x6d: {  	v63 =	vshrl.u32 v3, $0x3  }
0x6e: {  	v4 =	vmul.u32 $0x18, v63  }
0x6f: {  	v3 =	vand.u32 $0x7, v3  }
0x70: {  	v3 =	vor.u32 v3, v4  }
0x71: {  	v4 =	vperm.xlane v3, v0;
	_ =	sdelay $0x1  }
0x72: {  	v3 =	vperm.xlane v3, v2;
	v4 =	vadd.s32 v1, v4;
	_ =	sdelay $0x1  }
0x73: {  	v3 =	vadd.s32 v1, v3;
	_ =	sdelay $0x1  }
0x74: {  	s16 =	simm.s32 $0x4E00  }
0x75: {  	[tilespmem:s16], [sflag:$0x1] =	stream.indirect_vreg.gather [hbm4b:s10+s1], $0x80, v4, vm0, $0xb8;
	[tilespmem:$0x10200] =	vst v63  }
0x76: {  	s17 =	simm.s32 $0x5A00  }
0x77: {  	[tilespmem:s17], [sflag:$0x1] =	stream.indirect_vreg.gather [hbm4b:s10+s1], $0x80, v3, vm0, $0xb8;
	[tilespmem:$0x10200] =	vst v63  }
0x78: {  	s2 =	simm.s32 $0x0;
	s18 =	simm.s32 $0xC200  }
0x79: {  	[tilespmem:s18], [sflag:$0x1] =	stream.indirect.gather [hbm4b:s4+s0], $0x80, s1, s0, $0xb8;
	[tilespmem:$0x10200] =	vst v63  }
.LBB2_2:
0x7a: {  	p0 =	seq.s32 s2, $0x0  }
0x7b: {  	s12 =	simm.s32 @!p0 $0x4  }
0x7c: {  	s11 =	sshllo.u32 s2, $0x1;
	_ =	swait.ge @!p0 [sflag:s12], $0x6000  }
0x7d: {  	s11 =	sshll.u32 s11, $0x6;
	[sflag:s12] =	ssyncset.done @!p0 $0x0  }
0x7e: {  	s13 =	sand.u32 $0x3FFFFFC0, s11;
	[sflag:s12] =	ssyncadd.s32 @!p0 $0xFFFFA000  }
0x7f: {  	v3 =	vld [tilespmem:s13+$0x0];
	_ =	sdelay $0x4  }
0x80: {  	v4 =	vshrl.u32 v3, $0x3  }
0x81: {  	v4 =	vmul.u32 $0x18, v4  }
0x82: {  	v3 =	vand.u32 $0x7, v3  }
0x83: {  	v3 =	vor.u32 v3, v4  }
0x84: {  	v4 =	vperm.xlane v3, v0;
	_ =	sdelay $0x1  }
0x85: {  	v3 =	vperm.xlane v3, v2;
	v4 =	vadd.s32 v1, v4;
	_ =	sdelay $0x1  }
0x86: {  	v3 =	vadd.s32 v1, v3;
	_ =	sdelay $0x1  }
0x87: {  	s12 =	simm.s32 $0x0  }
0x88: {  	[tilespmem:s9], [sflag:$0x2] =	stream.indirect_vreg.gather [hbm4b:s3+s12], $0x80, v4, vm0, $0xb8;
	[tilespmem:$0x10200] =	vst v63  }
0x89: {  	s14 =	simm.s32 $0x6E00  }
0x8a: {  	[tilespmem:s14], [sflag:$0x2] =	stream.indirect_vreg.gather [hbm4b:s3+s12], $0x80, v3, vm0, $0xb8;
	[tilespmem:$0x10200] =	vst v63  }
0x8b: {  	v3 =	vld [tilespmem:s13+$0x10];
	_ =	sdelay $0x4  }
0x8c: {  	v4 =	vshrl.u32 v3, $0x3  }
0x8d: {  	v4 =	vmul.u32 $0x18, v4  }
0x8e: {  	v3 =	vand.u32 $0x7, v3  }
0x8f: {  	v3 =	vor.u32 v3, v4  }
0x90: {  	v4 =	vperm.xlane v3, v0;
	_ =	sdelay $0x1  }
0x91: {  	v3 =	vperm.xlane v3, v2;
	v4 =	vadd.s32 v1, v4;
	_ =	sdelay $0x1  }
0x92: {  	v3 =	vadd.s32 v1, v3;
	_ =	sdelay $0x1  }
0x93: {  	s17 =	simm.s32 $0x7A00  }
0x94: {  	[tilespmem:s17], [sflag:$0x2] =	stream.indirect_vreg.gather [hbm4b:s3+s12], $0x80, v4, vm0, $0xb8;
	[tilespmem:$0x10200] =	vst v63  }
0x95: {  	s18 =	simm.s32 $0x8600  }
0x96: {  	[tilespmem:s18], [sflag:$0x2] =	stream.indirect_vreg.gather [hbm4b:s3+s12], $0x80, v3, vm0, $0xb8;
	[tilespmem:$0x10200] =	vst v63  }
0x97: {  	v3 =	vld [tilespmem:s13+$0x20];
	_ =	sdelay $0x4  }
0x98: {  	v4 =	vshrl.u32 v3, $0x3  }
0x99: {  	v4 =	vmul.u32 $0x18, v4  }
0x9a: {  	v3 =	vand.u32 $0x7, v3  }
0x9b: {  	v3 =	vor.u32 v3, v4  }
0x9c: {  	v4 =	vperm.xlane v3, v0;
	_ =	sdelay $0x1  }
0x9d: {  	v3 =	vperm.xlane v3, v2;
	v4 =	vadd.s32 v1, v4;
	_ =	sdelay $0x1  }
0x9e: {  	v3 =	vadd.s32 v1, v3;
	_ =	sdelay $0x1  }
0x9f: {  	s16 =	simm.s32 $0x9200  }
0xa0: {  	[tilespmem:s16], [sflag:$0x2] =	stream.indirect_vreg.gather [hbm4b:s3+s12], $0x80, v4, vm0, $0xb8;
	[tilespmem:$0x10200] =	vst v63  }
0xa1: {  	s17 =	simm.s32 $0x9E00  }
0xa2: {  	[tilespmem:s17], [sflag:$0x2] =	stream.indirect_vreg.gather [hbm4b:s3+s12], $0x80, v3, vm0, $0xb8;
	[tilespmem:$0x10200] =	vst v63  }
0xa3: {  	v3 =	vld [tilespmem:s13+$0x30];
	_ =	sdelay $0x4  }
0xa4: {  	v4 =	vshrl.u32 v3, $0x3  }
0xa5: {  	v4 =	vmul.u32 $0x18, v4  }
0xa6: {  	v3 =	vand.u32 $0x7, v3  }
0xa7: {  	v3 =	vor.u32 v3, v4  }
0xa8: {  	v4 =	vperm.xlane v3, v0;
	_ =	sdelay $0x1  }
0xa9: {  	v3 =	vperm.xlane v3, v2;
	v4 =	vadd.s32 v1, v4;
	_ =	sdelay $0x1  }
0xaa: {  	v3 =	vadd.s32 v1, v3;
	_ =	sdelay $0x1  }
0xab: {  	s18 =	simm.s32 $0xAA00  }
0xac: {  	[tilespmem:s18], [sflag:$0x2] =	stream.indirect_vreg.gather [hbm4b:s3+s12], $0x80, v4, vm0, $0xb8;
	[tilespmem:$0x10200] =	vst v63  }
0xad: {  	s16 =	simm.s32 $0xB600  }
0xae: {  	[tilespmem:s16], [sflag:$0x2] =	stream.indirect_vreg.gather [hbm4b:s3+s12], $0x80, v3, vm0, $0xb8;
	[tilespmem:$0x10200] =	vst v63  }
0xaf: {  	v3 =	vld [tilespmem:s13+$0x0];
	_ =	sdelay $0x4  }
0xb0: {  	v4 =	vshrl.u32 v3, $0x3  }
0xb1: {  	v4 =	vmul.u32 $0x18, v4  }
0xb2: {  	v3 =	vand.u32 $0x7, v3  }
0xb3: {  	v3 =	vor.u32 v3, v4  }
0xb4: {  	v4 =	vperm.xlane v3, v0;
	_ =	sdelay $0x1  }
0xb5: {  	v3 =	vperm.xlane v3, v2;
	v4 =	vadd.s32 v1, v4;
	_ =	sdelay $0x1  }
0xb6: {  	v3 =	vadd.s32 v1, v3;
	_ =	sdelay $0x2  }
0xb7: {  	[tilespmem:s19], [sflag:$0x2] =	stream.indirect_vreg.gather [hbm4b:s10+s12], $0x80, v4, vm0, $0xb8;
	[tilespmem:$0x10200] =	vst v63  }
0xb8: {  	_ = 	snop  }
0xb9: {  	[tilespmem:s20], [sflag:$0x2] =	stream.indirect_vreg.gather [hbm4b:s10+s12], $0x80, v3, vm0, $0xb8;
	[tilespmem:$0x10200] =	vst v63  }
0xba: {  	v3 =	vld [tilespmem:s13+$0x10];
	_ =	sdelay $0x4  }
0xbb: {  	v4 =	vshrl.u32 v3, $0x3  }
0xbc: {  	v4 =	vmul.u32 $0x18, v4  }
0xbd: {  	v3 =	vand.u32 $0x7, v3  }
0xbe: {  	v3 =	vor.u32 v3, v4  }
0xbf: {  	v4 =	vperm.xlane v3, v0;
	_ =	sdelay $0x1  }
0xc0: {  	v3 =	vperm.xlane v3, v2;
	v4 =	vadd.s32 v1, v4;
	_ =	sdelay $0x1  }
0xc1: {  	v3 =	vadd.s32 v1, v3;
	_ =	sdelay $0x2  }
0xc2: {  	[tilespmem:s21], [sflag:$0x2] =	stream.indirect_vreg.gather [hbm4b:s10+s12], $0x80, v4, vm0, $0xb8;
	[tilespmem:$0x10200] =	vst v63  }
0xc3: {  	_ = 	snop  }
0xc4: {  	[tilespmem:s22], [sflag:$0x2] =	stream.indirect_vreg.gather [hbm4b:s10+s12], $0x80, v3, vm0, $0xb8;
	[tilespmem:$0x10200] =	vst v63  }
0xc5: {  	v3 =	vld [tilespmem:s13+$0x20];
	_ =	sdelay $0x4  }
0xc6: {  	v4 =	vshrl.u32 v3, $0x3  }
0xc7: {  	v4 =	vmul.u32 $0x18, v4  }
0xc8: {  	v3 =	vand.u32 $0x7, v3  }
0xc9: {  	v3 =	vor.u32 v3, v4  }
0xca: {  	v4 =	vperm.xlane v3, v0;
	_ =	sdelay $0x1  }
0xcb: {  	v3 =	vperm.xlane v3, v2;
	v4 =	vadd.s32 v1, v4;
	_ =	sdelay $0x1  }
0xcc: {  	v3 =	vadd.s32 v1, v3;
	_ =	sdelay $0x2  }
0xcd: {  	[tilespmem:s23], [sflag:$0x2] =	stream.indirect_vreg.gather [hbm4b:s10+s12], $0x80, v4, vm0, $0xb8;
	[tilespmem:$0x10200] =	vst v63  }
0xce: {  	_ = 	snop  }
0xcf: {  	[tilespmem:s24], [sflag:$0x2] =	stream.indirect_vreg.gather [hbm4b:s10+s12], $0x80, v3, vm0, $0xb8;
	[tilespmem:$0x10200] =	vst v63  }
0xd0: {  	v3 =	vld [tilespmem:s13+$0x30];
	_ =	sdelay $0x4  }
0xd1: {  	v4 =	vshrl.u32 v3, $0x3  }
0xd2: {  	v4 =	vmul.u32 $0x18, v4  }
0xd3: {  	v3 =	vand.u32 $0x7, v3  }
0xd4: {  	v3 =	vor.u32 v3, v4  }
0xd5: {  	v4 =	vperm.xlane v3, v0;
	_ =	sdelay $0x1  }
0xd6: {  	v3 =	vperm.xlane v3, v2;
	v4 =	vadd.s32 v1, v4;
	_ =	sdelay $0x1  }
0xd7: {  	v3 =	vadd.s32 v1, v3;
	_ =	sdelay $0x2  }
0xd8: {  	[tilespmem:s25], [sflag:$0x2] =	stream.indirect_vreg.gather [hbm4b:s10+s12], $0x80, v4, vm0, $0xb8;
	[tilespmem:$0x10200] =	vst v63  }
0xd9: {  	_ = 	snop  }
0xda: {  	[tilespmem:s26], [sflag:$0x2] =	stream.indirect_vreg.gather [hbm4b:s10+s12], $0x80, v3, vm0, $0xb8;
	[tilespmem:$0x10200] =	vst v63  }
0xdb: {  	_ = 	snop  }
0xdc: {  	[tilespmem:s28], [sflag:$0x2] =	stream.indirect.gather [hbm4b:s4+s0], $0x80, s13, s0, $0xb8;
	[tilespmem:$0x10200] =	vst v63  }
0xdd: {  	_ =	swait.ge [sflag:s29], $0x2000  }
0xde: {  	[sflag:s29] =	ssyncset.done $0x0  }
0xdf: {  	[sflag:s29] =	ssyncadd.s32 $0xFFFFE000  }
0xe0: {  	_ =	swait.ge [sflag:s29], $0x2000  }
0xe1: {  	[sflag:s29] =	ssyncset.done $0x0  }
0xe2: {  	[sflag:s29] =	ssyncadd.s32 $0xFFFFE000  }
0xe3: {  	_ =	swait.ge [sflag:s29], $0x2000  }
0xe4: {  	[sflag:s29] =	ssyncset.done $0x0  }
0xe5: {  	s17 =	simm.s32 $0xC270;
	[sflag:s29] =	ssyncadd.s32 $0xFFFFE000  }
0xe6: {  	s18 =	simm.s32 $0x0;
	v3 =	vld [tilespmem:s17+$0xFFFFFFE4]  }
0xe7: {  	s14 =	smul.u32 $0x3000, s18;
	_ =	sdelay $0x1  }
0xe8: {  	s16 =	sand.u32 $0x380, s12;
	s14 =	sshra.s32 s14, $0x2  }
0xe9: {  	s14 =	sor.u32 s16, s14  }
0xea: {  	[tilespmem:s14+$0xA00] =	vst v3  }
0xeb: {  	v3 =	vld [tilespmem:s17+$0xFFFFFFF4];
	_ =	sdelay $0x4  }
0xec: {  	[tilespmem:s14+$0xA10] =	vst v3  }
0xed: {  	v3 =	vld [tilespmem:s17+$0x0];
	_ =	sdelay $0x4  }
0xee: {  	s13 =	simm.s32 $0xC2F0;
	[tilespmem:s14+$0xA1C] =	vst v3  }
0xef: {  	s16 =	simm.s32 $0x0;
	s14 =	simm.s32 $0x2;
	v3 =	vld [tilespmem:s13+$0xFFFFFFE4]  }
.LBB2_3:
0xf0: {  	p0 =	sne.s32 s14, $0x3F;
	s16 =	smul.u32 $0x3000, s16  }
0xf1: {  	s12 =	sadd.s32 $0x80, s12  }
0xf2: {  	s17 =	sand.u32 $0x380, s12;
	s16 =	sshra.s32 s16, $0x2  }
0xf3: {  	s16 =	sor.u32 s17, s16  }
0xf4: {  	[tilespmem:s16+$0xA00] =	vst v3  }
0xf5: {  	v3 =	vld [tilespmem:s13+$0xFFFFFFF4];
	_ =	sdelay $0x4  }
0xf6: {  	[tilespmem:s16+$0xA10] =	vst v3  }
0xf7: {  	v3 =	vld [tilespmem:s13+$0x0];
	_ =	sdelay $0x1  }
.Ltmp0:
0xf8: {  	(pc) =	sbr.rel @p0 .LBB2_3-.Ltmp0, $3  }
0xf9: {  	_ =	sdelay $0x1  }
0xfa: {  	s13 =	sadd.s32 $0x80, s13;
	[tilespmem:s16+$0xA1C] =	vst v3  }
0xfb: {  	s16 =	sshrl.u32 s14, $0x3;
	s14 =	sadd.s32 $0x1, s14;
	v3 =	vld [tilespmem:s13+$0xFFFFFFE4]  }
0xfc: {  	s14 =	smul.u32 $0x3000, s16  }
0xfd: {  	s12 =	sadd.s32 $0x80, s12  }
0xfe: {  	s12 =	sand.u32 $0x380, s12;
	s14 =	sshra.s32 s14, $0x2  }
0xff: {  	s14 =	sor.u32 s12, s14  }
0x100: {  	[tilespmem:s14+$0xA00] =	vst v3  }
0x101: {  	v3 =	vld [tilespmem:s13+$0xFFFFFFF4];
	_ =	sdelay $0x4  }
0x102: {  	[tilespmem:s14+$0xA10] =	vst v3  }
0x103: {  	s12 =	sshll.u32 s2, $0x7;
	v3 =	vld [tilespmem:s13+$0x0]  }
0x104: {  	p0 =	seq.s32 s2, $0x3;
	s18 =	sadd.s32 s6, s12  }
.Ltmp1:
0x105: {  	s13 =	sshrl.u32 s18, $0x3;
	(pc) =	sbr.rel @p0 .LBB2_6-.Ltmp1, $3  }
0x106: {  	s13 =	smul.u32 $0x180, s13;
	_ =	sdelay $0x1  }
0x107: {  	s13 =	sadd.s32 s5, s13;
	[tilespmem:s14+$0xA1C] =	vst v3  }
0x108: {  	[hbm4b:s13+s1] =	stream.linear.scatter [tilespmem:s15], [sflag:$0x3], $0x6000, $0x38;
	[tilespmem:$0x10200] =	vst v63  }
0x109: {  	_ =	swait.ge [sflag:s31], $0x6000  }
0x10a: {  	[sflag:s31] =	ssyncset.done $0x0  }
0x10b: {  	s12 =	sand.u32 $0x3FFFFF80, s12;
	[sflag:s31] =	ssyncadd.s32 $0xFFFFA000  }
0x10c: {  	v3 =	vld [tilespmem:s12+$0x80];
	_ =	sdelay $0x4  }
0x10d: {  	v4 =	vshrl.u32 v3, $0x3  }
0x10e: {  	v4 =	vmul.u32 $0x18, v4  }
0x10f: {  	v3 =	vand.u32 $0x7, v3  }
0x110: {  	v3 =	vor.u32 v3, v4  }
0x111: {  	v4 =	vperm.xlane v3, v0;
	_ =	sdelay $0x1  }
0x112: {  	v3 =	vperm.xlane v3, v2;
	v4 =	vadd.s32 v1, v4;
	_ =	sdelay $0x1  }
0x113: {  	v3 =	vadd.s32 v1, v3;
	_ =	sdelay $0x2  }
0x114: {  	[tilespmem:s15], [sflag:$0x1] =	stream.indirect_vreg.gather [hbm4b:s3+s1], $0x80, v4, vm0, $0xb8;
	[tilespmem:$0x10200] =	vst v63  }
0x115: {  	s13 =	simm.s32 $0xE00  }
0x116: {  	[tilespmem:s13], [sflag:$0x1] =	stream.indirect_vreg.gather [hbm4b:s3+s1], $0x80, v3, vm0, $0xb8;
	[tilespmem:$0x10200] =	vst v63  }
0x117: {  	v3 =	vld [tilespmem:s12+$0x90];
	_ =	sdelay $0x4  }
0x118: {  	v57 =	vshrl.u32 v3, $0x3  }
0x119: {  	v4 =	vmul.u32 $0x18, v57  }
0x11a: {  	v3 =	vand.u32 $0x7, v3  }
0x11b: {  	v3 =	vor.u32 v3, v4  }
0x11c: {  	v4 =	vperm.xlane v3, v0;
	_ =	sdelay $0x1  }
0x11d: {  	v3 =	vperm.xlane v3, v2;
	v4 =	vadd.s32 v1, v4;
	_ =	sdelay $0x1  }
0x11e: {  	v3 =	vadd.s32 v1, v3;
	_ =	sdelay $0x1  }
0x11f: {  	s16 =	simm.s32 $0x1A00  }
0x120: {  	[tilespmem:s16], [sflag:$0x1] =	stream.indirect_vreg.gather [hbm4b:s3+s1], $0x80, v4, vm0, $0xb8;
	[tilespmem:$0x10200] =	vst v63  }
0x121: {  	s17 =	simm.s32 $0x2600  }
0x122: {  	[tilespmem:s17], [sflag:$0x1] =	stream.indirect_vreg.gather [hbm4b:s3+s1], $0x80, v3, vm0, $0xb8;
	[tilespmem:$0x10200] =	vst v63  }
0x123: {  	v3 =	vld [tilespmem:s12+$0xA0];
	_ =	sdelay $0x4  }
0x124: {  	v58 =	vshrl.u32 v3, $0x3  }
0x125: {  	v4 =	vmul.u32 $0x18, v58  }
0x126: {  	v3 =	vand.u32 $0x7, v3  }
0x127: {  	v3 =	vor.u32 v3, v4  }
0x128: {  	v4 =	vperm.xlane v3, v0;
	_ =	sdelay $0x1  }
0x129: {  	v3 =	vperm.xlane v3, v2;
	v4 =	vadd.s32 v1, v4;
	_ =	sdelay $0x1  }
0x12a: {  	v3 =	vadd.s32 v1, v3;
	_ =	sdelay $0x1  }
0x12b: {  	s18 =	simm.s32 $0x3200  }
0x12c: {  	[tilespmem:s18], [sflag:$0x1] =	stream.indirect_vreg.gather [hbm4b:s3+s1], $0x80, v4, vm0, $0xb8;
	[tilespmem:$0x10200] =	vst v63  }
0x12d: {  	s14 =	simm.s32 $0x3E00  }
0x12e: {  	[tilespmem:s14], [sflag:$0x1] =	stream.indirect_vreg.gather [hbm4b:s3+s1], $0x80, v3, vm0, $0xb8;
	[tilespmem:$0x10200] =	vst v63  }
0x12f: {  	v3 =	vld [tilespmem:s12+$0xB0];
	_ =	sdelay $0x4  }
0x130: {  	v59 =	vshrl.u32 v3, $0x3  }
0x131: {  	v4 =	vmul.u32 $0x18, v59  }
0x132: {  	v3 =	vand.u32 $0x7, v3  }
0x133: {  	v3 =	vor.u32 v3, v4  }
0x134: {  	v4 =	vperm.xlane v3, v0;
	_ =	sdelay $0x1  }
0x135: {  	v3 =	vperm.xlane v3, v2;
	v4 =	vadd.s32 v1, v4;
	_ =	sdelay $0x1  }
0x136: {  	v3 =	vadd.s32 v1, v3;
	_ =	sdelay $0x1  }
0x137: {  	s16 =	simm.s32 $0x4A00  }
0x138: {  	[tilespmem:s16], [sflag:$0x1] =	stream.indirect_vreg.gather [hbm4b:s3+s1], $0x80, v4, vm0, $0xb8;
	[tilespmem:$0x10200] =	vst v63  }
0x139: {  	s17 =	simm.s32 $0x5600  }
0x13a: {  	[tilespmem:s17], [sflag:$0x1] =	stream.indirect_vreg.gather [hbm4b:s3+s1], $0x80, v3, vm0, $0xb8;
	[tilespmem:$0x10200] =	vst v63  }
0x13b: {  	v3 =	vld [tilespmem:s12+$0x80];
	_ =	sdelay $0x4  }
0x13c: {  	v60 =	vshrl.u32 v3, $0x3  }
0x13d: {  	v4 =	vmul.u32 $0x18, v60  }
0x13e: {  	v3 =	vand.u32 $0x7, v3  }
0x13f: {  	v3 =	vor.u32 v3, v4  }
0x140: {  	v4 =	vperm.xlane v3, v0;
	_ =	sdelay $0x1  }
0x141: {  	v3 =	vperm.xlane v3, v2;
	v4 =	vadd.s32 v1, v4;
	_ =	sdelay $0x1  }
0x142: {  	v3 =	vadd.s32 v1, v3;
	_ =	sdelay $0x1  }
0x143: {  	s18 =	simm.s32 $0x600  }
0x144: {  	[tilespmem:s18], [sflag:$0x1] =	stream.indirect_vreg.gather [hbm4b:s10+s1], $0x80, v4, vm0, $0xb8;
	[tilespmem:$0x10200] =	vst v63  }
0x145: {  	s14 =	simm.s32 $0x1200  }
0x146: {  	[tilespmem:s14], [sflag:$0x1] =	stream.indirect_vreg.gather [hbm4b:s10+s1], $0x80, v3, vm0, $0xb8;
	[tilespmem:$0x10200] =	vst v63  }
0x147: {  	v3 =	vld [tilespmem:s12+$0x90];
	_ =	sdelay $0x4  }
0x148: {  	v61 =	vshrl.u32 v3, $0x3  }
0x149: {  	v4 =	vmul.u32 $0x18, v61  }
0x14a: {  	v3 =	vand.u32 $0x7, v3  }
0x14b: {  	v3 =	vor.u32 v3, v4  }
0x14c: {  	v4 =	vperm.xlane v3, v0;
	_ =	sdelay $0x1  }
0x14d: {  	v3 =	vperm.xlane v3, v2;
	v4 =	vadd.s32 v1, v4;
	_ =	sdelay $0x1  }
0x14e: {  	v3 =	vadd.s32 v1, v3;
	_ =	sdelay $0x1  }
0x14f: {  	s16 =	simm.s32 $0x1E00  }
0x150: {  	[tilespmem:s16], [sflag:$0x1] =	stream.indirect_vreg.gather [hbm4b:s10+s1], $0x80, v4, vm0, $0xb8;
	[tilespmem:$0x10200] =	vst v63  }
0x151: {  	s17 =	simm.s32 $0x2A00  }
0x152: {  	[tilespmem:s17], [sflag:$0x1] =	stream.indirect_vreg.gather [hbm4b:s10+s1], $0x80, v3, vm0, $0xb8;
	[tilespmem:$0x10200] =	vst v63  }
0x153: {  	v3 =	vld [tilespmem:s12+$0xA0];
	_ =	sdelay $0x4  }
0x154: {  	v62 =	vshrl.u32 v3, $0x3  }
0x155: {  	v4 =	vmul.u32 $0x18, v62  }
0x156: {  	v3 =	vand.u32 $0x7, v3  }
0x157: {  	v3 =	vor.u32 v3, v4  }
0x158: {  	v4 =	vperm.xlane v3, v0;
	_ =	sdelay $0x1  }
0x159: {  	v3 =	vperm.xlane v3, v2;
	v4 =	vadd.s32 v1, v4;
	_ =	sdelay $0x1  }
0x15a: {  	v3 =	vadd.s32 v1, v3;
	_ =	sdelay $0x1  }
0x15b: {  	s18 =	simm.s32 $0x3600  }
0x15c: {  	[tilespmem:s18], [sflag:$0x1] =	stream.indirect_vreg.gather [hbm4b:s10+s1], $0x80, v4, vm0, $0xb8;
	[tilespmem:$0x10200] =	vst v63  }
0x15d: {  	s14 =	simm.s32 $0x4200  }
0x15e: {  	[tilespmem:s14], [sflag:$0x1] =	stream.indirect_vreg.gather [hbm4b:s10+s1], $0x80, v3, vm0, $0xb8;
	[tilespmem:$0x10200] =	vst v63  }
0x15f: {  	v3 =	vld [tilespmem:s12+$0xB0];
	_ =	sdelay $0x4  }
0x160: {  	v63 =	vshrl.u32 v3, $0x3  }
0x161: {  	v4 =	vmul.u32 $0x18, v63  }
0x162: {  	v3 =	vand.u32 $0x7, v3  }
0x163: {  	v3 =	vor.u32 v3, v4  }
0x164: {  	v4 =	vperm.xlane v3, v0;
	_ =	sdelay $0x1  }
0x165: {  	v3 =	vperm.xlane v3, v2;
	v4 =	vadd.s32 v1, v4;
	_ =	sdelay $0x1  }
0x166: {  	v3 =	vadd.s32 v1, v3;
	_ =	sdelay $0x1  }
0x167: {  	s16 =	simm.s32 $0x4E00  }
0x168: {  	[tilespmem:s16], [sflag:$0x1] =	stream.indirect_vreg.gather [hbm4b:s10+s1], $0x80, v4, vm0, $0xb8;
	[tilespmem:$0x10200] =	vst v63  }
0x169: {  	s17 =	simm.s32 $0x5A00  }
0x16a: {  	[tilespmem:s17], [sflag:$0x1] =	stream.indirect_vreg.gather [hbm4b:s10+s1], $0x80, v3, vm0, $0xb8;
	[tilespmem:$0x10200] =	vst v63  }
0x16b: {  	s18 =	simm.s32 $0xC200;
	s12 =	sadd.s32 $0x80, s12  }
0x16c: {  	[tilespmem:s18], [sflag:$0x1] =	stream.indirect.gather [hbm4b:s4+s0], $0x80, s12, s0, $0xb8;
	[tilespmem:$0x10200] =	vst v63  }
.LBB2_6:
0x16d: {  	_ =	swait.ge [sflag:s30], $0x2000  }
0x16e: {  	[sflag:s30] =	ssyncset.done $0x0  }
0x16f: {  	[sflag:s30] =	ssyncadd.s32 $0xFFFFE000  }
0x170: {  	_ =	swait.ge [sflag:s30], $0x2000  }
0x171: {  	[sflag:s30] =	ssyncset.done $0x0  }
0x172: {  	[sflag:s30] =	ssyncadd.s32 $0xFFFFE000  }
0x173: {  	_ =	swait.ge [sflag:s30], $0x2000  }
0x174: {  	[sflag:s30] =	ssyncset.done $0x0  }
0x175: {  	s13 =	simm.s32 $0xE270;
	[sflag:s30] =	ssyncadd.s32 $0xFFFFE000  }
0x176: {  	s12 =	simm.s32 $0x0;
	v3 =	vld [tilespmem:s13+$0xFFFFFFE4]  }
0x177: {  	s14 =	smul.u32 $0x3000, s12  }
0x178: {  	s12 =	simm.s32 $0x0  }
0x179: {  	s16 =	sand.u32 $0x380, s12;
	s14 =	sshra.s32 s14, $0x2  }
0x17a: {  	s14 =	sor.u32 s16, s14  }
0x17b: {  	[tilespmem:s14+$0x6A00] =	vst v3  }
0x17c: {  	v3 =	vld [tilespmem:s13+$0xFFFFFFF4];
	_ =	sdelay $0x4  }
0x17d: {  	[tilespmem:s14+$0x6A10] =	vst v3  }
0x17e: {  	v3 =	vld [tilespmem:s13+$0x0];
	_ =	sdelay $0x4  }
0x17f: {  	s13 =	simm.s32 $0xE2F0;
	[tilespmem:s14+$0x6A1C] =	vst v3  }
0x180: {  	s16 =	simm.s32 $0x0;
	s14 =	simm.s32 $0x2;
	v3 =	vld [tilespmem:s13+$0xFFFFFFE4]  }
.LBB2_7:
0x181: {  	p0 =	sne.s32 s14, $0x3F;
	s16 =	smul.u32 $0x3000, s16  }
0x182: {  	s12 =	sadd.s32 $0x80, s12  }
0x183: {  	s17 =	sand.u32 $0x380, s12;
	s16 =	sshra.s32 s16, $0x2  }
0x184: {  	s16 =	sor.u32 s17, s16  }
0x185: {  	[tilespmem:s16+$0x6A00] =	vst v3  }
0x186: {  	v3 =	vld [tilespmem:s13+$0xFFFFFFF4];
	_ =	sdelay $0x4  }
0x187: {  	[tilespmem:s16+$0x6A10] =	vst v3  }
0x188: {  	v3 =	vld [tilespmem:s13+$0x0];
	_ =	sdelay $0x1  }
.Ltmp2:
0x189: {  	(pc) =	sbr.rel @p0 .LBB2_7-.Ltmp2, $3  }
0x18a: {  	_ =	sdelay $0x1  }
0x18b: {  	s13 =	sadd.s32 $0x80, s13;
	[tilespmem:s16+$0x6A1C] =	vst v3  }
0x18c: {  	s16 =	sshrl.u32 s14, $0x3;
	s14 =	sadd.s32 $0x1, s14;
	v3 =	vld [tilespmem:s13+$0xFFFFFFE4]  }
0x18d: {  	s14 =	smul.u32 $0x3000, s16  }
0x18e: {  	s12 =	sadd.s32 $0x80, s12  }
0x18f: {  	s12 =	sand.u32 $0x380, s12;
	s14 =	sshra.s32 s14, $0x2  }
0x190: {  	s12 =	sor.u32 s12, s14  }
0x191: {  	[tilespmem:s12+$0x6A00] =	vst v3  }
0x192: {  	v3 =	vld [tilespmem:s13+$0xFFFFFFF4];
	_ =	sdelay $0x4  }
0x193: {  	[tilespmem:s12+$0x6A10] =	vst v3  }
0x194: {  	s2 =	sadd.s32 $0x1, s2;
	v3 =	vld [tilespmem:s13+$0x0]  }
0x195: {  	s11 =	sadd.s32 s6, s11;
	p0 =	sne.s32 s2, $0x4  }
.Ltmp3:
0x196: {  	s11 =	sshrl.u32 s11, $0x3;
	(pc) =	sbr.rel @p0 .LBB2_2-.Ltmp3, $3  }
0x197: {  	s11 =	smul.u32 $0x180, s11;
	_ =	sdelay $0x1  }
0x198: {  	s11 =	sadd.s32 s5, s11;
	[tilespmem:s12+$0x6A1C] =	vst v3  }
0x199: {  	[hbm4b:s11+s1] =	stream.linear.scatter [tilespmem:s9], [sflag:$0x4], $0x6000, $0x38;
	[tilespmem:$0x10200] =	vst v63  }
0x19a: {  	_ =	swait.ge [sflag:s31], $0x6000  }
0x19b: {  	[sflag:s31] =	ssyncset.done $0x0  }
0x19c: {  	s2 =	simm.s32 $0x4;
	[sflag:s31] =	ssyncadd.s32 $0xFFFFA000  }
0x19d: {  	_ =	swait.ge [sflag:s2], $0x6000  }
0x19e: {  	s13 =	simm.s32 $0x5;
	[sflag:s2] =	ssyncset.done $0x0  }
0x19f: {  	s11 =	rddreg [dreg:$0x6];
	[sflag:s2] =	ssyncadd.s32 $0xFFFFA000;
	s2 =	simm.s32 $0x0  }
0x1a0: {  	[tilespmem:s2], [sflag:$0x5] =	stream.linear.gather [hbm4b:s11+s2], $0x200, $0x38;
	[tilespmem:$0x10200] =	vst v63  }
0x1a1: {  	_ =	swait.ge [sflag:s13], $0x200  }
0x1a2: {  	[sflag:s13] =	ssyncset.done $0x0  }
0x1a3: {  	[sflag:s13] =	ssyncadd.s32 $0xFFFFFE00  }
0x1a4: {  	v3 =	vld [tilespmem:$0x0];
	_ =	sdelay $0x4  }
0x1a5: {  	v4 =	vshrl.u32 v3, $0x3  }
0x1a6: {  	v4 =	vmul.u32 $0x18, v4  }
0x1a7: {  	v3 =	vand.u32 $0x7, v3  }
0x1a8: {  	v3 =	vor.u32 v3, v4  }
0x1a9: {  	v4 =	vperm.xlane v3, v0;
	_ =	sdelay $0x1  }
0x1aa: {  	v3 =	vperm.xlane v3, v2;
	v4 =	vadd.s32 v1, v4;
	_ =	sdelay $0x1  }
0x1ab: {  	v3 =	vadd.s32 v1, v3;
	_ =	sdelay $0x2  }
0x1ac: {  	[tilespmem:s15], [sflag:$0x1] =	stream.indirect_vreg.gather [hbm4b:s3+s2], $0x80, v4, vm0, $0xb8;
	[tilespmem:$0x10200] =	vst v63  }
0x1ad: {  	s14 =	simm.s32 $0xE00  }
0x1ae: {  	[tilespmem:s14], [sflag:$0x1] =	stream.indirect_vreg.gather [hbm4b:s3+s2], $0x80, v3, vm0, $0xb8;
	[tilespmem:$0x10200] =	vst v63  }
0x1af: {  	v3 =	vld [tilespmem:$0x10];
	_ =	sdelay $0x4  }
0x1b0: {  	v57 =	vshrl.u32 v3, $0x3  }
0x1b1: {  	v4 =	vmul.u32 $0x18, v57  }
0x1b2: {  	v3 =	vand.u32 $0x7, v3  }
0x1b3: {  	v3 =	vor.u32 v3, v4  }
0x1b4: {  	v4 =	vperm.xlane v3, v0;
	_ =	sdelay $0x1  }
0x1b5: {  	v3 =	vperm.xlane v3, v2;
	v4 =	vadd.s32 v1, v4;
	_ =	sdelay $0x1  }
0x1b6: {  	v3 =	vadd.s32 v1, v3;
	_ =	sdelay $0x1  }
0x1b7: {  	s16 =	simm.s32 $0x1A00  }
0x1b8: {  	[tilespmem:s16], [sflag:$0x1] =	stream.indirect_vreg.gather [hbm4b:s3+s2], $0x80, v4, vm0, $0xb8;
	[tilespmem:$0x10200] =	vst v63  }
0x1b9: {  	s17 =	simm.s32 $0x2600  }
0x1ba: {  	[tilespmem:s17], [sflag:$0x1] =	stream.indirect_vreg.gather [hbm4b:s3+s2], $0x80, v3, vm0, $0xb8;
	[tilespmem:$0x10200] =	vst v63  }
0x1bb: {  	v3 =	vld [tilespmem:$0x20];
	_ =	sdelay $0x4  }
0x1bc: {  	v58 =	vshrl.u32 v3, $0x3  }
0x1bd: {  	v4 =	vmul.u32 $0x18, v58  }
0x1be: {  	v3 =	vand.u32 $0x7, v3  }
0x1bf: {  	v3 =	vor.u32 v3, v4  }
0x1c0: {  	v4 =	vperm.xlane v3, v0;
	_ =	sdelay $0x1  }
0x1c1: {  	v3 =	vperm.xlane v3, v2;
	v4 =	vadd.s32 v1, v4;
	_ =	sdelay $0x1  }
0x1c2: {  	v3 =	vadd.s32 v1, v3;
	_ =	sdelay $0x1  }
0x1c3: {  	s18 =	simm.s32 $0x3200  }
0x1c4: {  	[tilespmem:s18], [sflag:$0x1] =	stream.indirect_vreg.gather [hbm4b:s3+s2], $0x80, v4, vm0, $0xb8;
	[tilespmem:$0x10200] =	vst v63  }
0x1c5: {  	s12 =	simm.s32 $0x3E00  }
0x1c6: {  	[tilespmem:s12], [sflag:$0x1] =	stream.indirect_vreg.gather [hbm4b:s3+s2], $0x80, v3, vm0, $0xb8;
	[tilespmem:$0x10200] =	vst v63  }
0x1c7: {  	v3 =	vld [tilespmem:$0x30];
	_ =	sdelay $0x4  }
0x1c8: {  	v59 =	vshrl.u32 v3, $0x3  }
0x1c9: {  	v4 =	vmul.u32 $0x18, v59  }
0x1ca: {  	v3 =	vand.u32 $0x7, v3  }
0x1cb: {  	v3 =	vor.u32 v3, v4  }
0x1cc: {  	v4 =	vperm.xlane v3, v0;
	_ =	sdelay $0x1  }
0x1cd: {  	v3 =	vperm.xlane v3, v2;
	v4 =	vadd.s32 v1, v4;
	_ =	sdelay $0x1  }
0x1ce: {  	v3 =	vadd.s32 v1, v3;
	_ =	sdelay $0x1  }
0x1cf: {  	s13 =	simm.s32 $0x4A00  }
0x1d0: {  	[tilespmem:s13], [sflag:$0x1] =	stream.indirect_vreg.gather [hbm4b:s3+s2], $0x80, v4, vm0, $0xb8;
	[tilespmem:$0x10200] =	vst v63  }
0x1d1: {  	s14 =	simm.s32 $0x5600  }
0x1d2: {  	[tilespmem:s14], [sflag:$0x1] =	stream.indirect_vreg.gather [hbm4b:s3+s2], $0x80, v3, vm0, $0xb8;
	[tilespmem:$0x10200] =	vst v63  }
0x1d3: {  	v3 =	vld [tilespmem:$0x0];
	_ =	sdelay $0x4  }
0x1d4: {  	v60 =	vshrl.u32 v3, $0x3  }
0x1d5: {  	v4 =	vmul.u32 $0x18, v60  }
0x1d6: {  	v3 =	vand.u32 $0x7, v3  }
0x1d7: {  	v3 =	vor.u32 v3, v4  }
0x1d8: {  	v4 =	vperm.xlane v3, v0;
	_ =	sdelay $0x1  }
0x1d9: {  	v3 =	vperm.xlane v3, v2;
	v4 =	vadd.s32 v1, v4;
	_ =	sdelay $0x1  }
0x1da: {  	v3 =	vadd.s32 v1, v3;
	_ =	sdelay $0x1  }
0x1db: {  	s16 =	simm.s32 $0x600  }
0x1dc: {  	[tilespmem:s16], [sflag:$0x1] =	stream.indirect_vreg.gather [hbm4b:s10+s2], $0x80, v4, vm0, $0xb8;
	[tilespmem:$0x10200] =	vst v63  }
0x1dd: {  	s17 =	simm.s32 $0x1200  }
0x1de: {  	[tilespmem:s17], [sflag:$0x1] =	stream.indirect_vreg.gather [hbm4b:s10+s2], $0x80, v3, vm0, $0xb8;
	[tilespmem:$0x10200] =	vst v63  }
0x1df: {  	v3 =	vld [tilespmem:$0x10];
	_ =	sdelay $0x4  }
0x1e0: {  	v61 =	vshrl.u32 v3, $0x3  }
0x1e1: {  	v4 =	vmul.u32 $0x18, v61  }
0x1e2: {  	v3 =	vand.u32 $0x7, v3  }
0x1e3: {  	v3 =	vor.u32 v3, v4  }
0x1e4: {  	v4 =	vperm.xlane v3, v0;
	_ =	sdelay $0x1  }
0x1e5: {  	v3 =	vperm.xlane v3, v2;
	v4 =	vadd.s32 v1, v4;
	_ =	sdelay $0x1  }
0x1e6: {  	v3 =	vadd.s32 v1, v3;
	_ =	sdelay $0x1  }
0x1e7: {  	s18 =	simm.s32 $0x1E00  }
0x1e8: {  	[tilespmem:s18], [sflag:$0x1] =	stream.indirect_vreg.gather [hbm4b:s10+s2], $0x80, v4, vm0, $0xb8;
	[tilespmem:$0x10200] =	vst v63  }
0x1e9: {  	s12 =	simm.s32 $0x2A00  }
0x1ea: {  	[tilespmem:s12], [sflag:$0x1] =	stream.indirect_vreg.gather [hbm4b:s10+s2], $0x80, v3, vm0, $0xb8;
	[tilespmem:$0x10200] =	vst v63  }
0x1eb: {  	v3 =	vld [tilespmem:$0x20];
	_ =	sdelay $0x4  }
0x1ec: {  	v62 =	vshrl.u32 v3, $0x3  }
0x1ed: {  	v4 =	vmul.u32 $0x18, v62  }
0x1ee: {  	v3 =	vand.u32 $0x7, v3  }
0x1ef: {  	v3 =	vor.u32 v3, v4  }
0x1f0: {  	v4 =	vperm.xlane v3, v0;
	_ =	sdelay $0x1  }
0x1f1: {  	v3 =	vperm.xlane v3, v2;
	v4 =	vadd.s32 v1, v4;
	_ =	sdelay $0x1  }
0x1f2: {  	v3 =	vadd.s32 v1, v3;
	_ =	sdelay $0x1  }
0x1f3: {  	s13 =	simm.s32 $0x3600  }
0x1f4: {  	[tilespmem:s13], [sflag:$0x1] =	stream.indirect_vreg.gather [hbm4b:s10+s2], $0x80, v4, vm0, $0xb8;
	[tilespmem:$0x10200] =	vst v63  }
0x1f5: {  	s14 =	simm.s32 $0x4200  }
0x1f6: {  	[tilespmem:s14], [sflag:$0x1] =	stream.indirect_vreg.gather [hbm4b:s10+s2], $0x80, v3, vm0, $0xb8;
	[tilespmem:$0x10200] =	vst v63  }
0x1f7: {  	v3 =	vld [tilespmem:$0x30];
	_ =	sdelay $0x4  }
0x1f8: {  	v63 =	vshrl.u32 v3, $0x3  }
0x1f9: {  	v4 =	vmul.u32 $0x18, v63  }
0x1fa: {  	v3 =	vand.u32 $0x7, v3  }
0x1fb: {  	v3 =	vor.u32 v3, v4  }
0x1fc: {  	v4 =	vperm.xlane v3, v0;
	_ =	sdelay $0x1  }
0x1fd: {  	v3 =	vperm.xlane v3, v2;
	v4 =	vadd.s32 v1, v4;
	_ =	sdelay $0x1  }
0x1fe: {  	v3 =	vadd.s32 v1, v3;
	_ =	sdelay $0x1  }
0x1ff: {  	s16 =	simm.s32 $0x4E00  }
0x200: {  	[tilespmem:s16], [sflag:$0x1] =	stream.indirect_vreg.gather [hbm4b:s10+s2], $0x80, v4, vm0, $0xb8;
	[tilespmem:$0x10200] =	vst v63  }
0x201: {  	s17 =	simm.s32 $0x5A00  }
0x202: {  	[tilespmem:s17], [sflag:$0x1] =	stream.indirect_vreg.gather [hbm4b:s10+s2], $0x80, v3, vm0, $0xb8;
	[tilespmem:$0x10200] =	vst v63  }
0x203: {  	s11 =	simm.s32 $0x0;
	s18 =	simm.s32 $0xC200  }
0x204: {  	[tilespmem:s18], [sflag:$0x1] =	stream.indirect.gather [hbm4b:s4+s0], $0x80, s2, s0, $0xb8;
	[tilespmem:$0x10200] =	vst v63  }
.LBB2_10:
0x205: {  	p0 =	seq.s32 s11, $0x0  }
0x206: {  	s13 =	simm.s32 @!p0 $0x4  }
0x207: {  	s12 =	sshllo.u32 s11, $0x1;
	_ =	swait.ge @!p0 [sflag:s13], $0x6000  }
0x208: {  	s12 =	sshll.u32 s12, $0x6;
	[sflag:s13] =	ssyncset.done @!p0 $0x0  }
0x209: {  	[sflag:s13] =	ssyncadd.s32 @!p0 $0xFFFFA000;
	s13 =	sand.u32 $0x3FFFFFC0, s12  }
0x20a: {  	v3 =	vld [tilespmem:s13+$0x0];
	_ =	sdelay $0x4  }
0x20b: {  	v4 =	vshrl.u32 v3, $0x3  }
0x20c: {  	v4 =	vmul.u32 $0x18, v4  }
0x20d: {  	v3 =	vand.u32 $0x7, v3  }
0x20e: {  	v3 =	vor.u32 v3, v4  }
0x20f: {  	v4 =	vperm.xlane v3, v0;
	_ =	sdelay $0x1  }
0x210: {  	v3 =	vperm.xlane v3, v2;
	v4 =	vadd.s32 v1, v4;
	_ =	sdelay $0x1  }
0x211: {  	v3 =	vadd.s32 v1, v3;
	_ =	sdelay $0x2  }
0x212: {  	[tilespmem:s9], [sflag:$0x2] =	stream.indirect_vreg.gather [hbm4b:s3+s2], $0x80, v4, vm0, $0xb8;
	[tilespmem:$0x10200] =	vst v63  }
0x213: {  	s14 =	simm.s32 $0x6E00  }
0x214: {  	[tilespmem:s14], [sflag:$0x2] =	stream.indirect_vreg.gather [hbm4b:s3+s2], $0x80, v3, vm0, $0xb8;
	[tilespmem:$0x10200] =	vst v63  }
0x215: {  	v3 =	vld [tilespmem:s13+$0x10];
	_ =	sdelay $0x4  }
0x216: {  	v4 =	vshrl.u32 v3, $0x3  }
0x217: {  	v4 =	vmul.u32 $0x18, v4  }
0x218: {  	v3 =	vand.u32 $0x7, v3  }
0x219: {  	v3 =	vor.u32 v3, v4  }
0x21a: {  	v4 =	vperm.xlane v3, v0;
	_ =	sdelay $0x1  }
0x21b: {  	v3 =	vperm.xlane v3, v2;
	v4 =	vadd.s32 v1, v4;
	_ =	sdelay $0x1  }
0x21c: {  	v3 =	vadd.s32 v1, v3;
	_ =	sdelay $0x1  }
0x21d: {  	s17 =	simm.s32 $0x7A00  }
0x21e: {  	[tilespmem:s17], [sflag:$0x2] =	stream.indirect_vreg.gather [hbm4b:s3+s2], $0x80, v4, vm0, $0xb8;
	[tilespmem:$0x10200] =	vst v63  }
0x21f: {  	s18 =	simm.s32 $0x8600  }
0x220: {  	[tilespmem:s18], [sflag:$0x2] =	stream.indirect_vreg.gather [hbm4b:s3+s2], $0x80, v3, vm0, $0xb8;
	[tilespmem:$0x10200] =	vst v63  }
0x221: {  	v3 =	vld [tilespmem:s13+$0x20];
	_ =	sdelay $0x4  }
0x222: {  	v4 =	vshrl.u32 v3, $0x3  }
0x223: {  	v4 =	vmul.u32 $0x18, v4  }
0x224: {  	v3 =	vand.u32 $0x7, v3  }
0x225: {  	v3 =	vor.u32 v3, v4  }
0x226: {  	v4 =	vperm.xlane v3, v0;
	_ =	sdelay $0x1  }
0x227: {  	v3 =	vperm.xlane v3, v2;
	v4 =	vadd.s32 v1, v4;
	_ =	sdelay $0x1  }
0x228: {  	v3 =	vadd.s32 v1, v3;
	_ =	sdelay $0x1  }
0x229: {  	s16 =	simm.s32 $0x9200  }
0x22a: {  	[tilespmem:s16], [sflag:$0x2] =	stream.indirect_vreg.gather [hbm4b:s3+s2], $0x80, v4, vm0, $0xb8;
	[tilespmem:$0x10200] =	vst v63  }
0x22b: {  	s17 =	simm.s32 $0x9E00  }
0x22c: {  	[tilespmem:s17], [sflag:$0x2] =	stream.indirect_vreg.gather [hbm4b:s3+s2], $0x80, v3, vm0, $0xb8;
	[tilespmem:$0x10200] =	vst v63  }
0x22d: {  	v3 =	vld [tilespmem:s13+$0x30];
	_ =	sdelay $0x4  }
0x22e: {  	v4 =	vshrl.u32 v3, $0x3  }
0x22f: {  	v4 =	vmul.u32 $0x18, v4  }
0x230: {  	v3 =	vand.u32 $0x7, v3  }
0x231: {  	v3 =	vor.u32 v3, v4  }
0x232: {  	v4 =	vperm.xlane v3, v0;
	_ =	sdelay $0x1  }
0x233: {  	v3 =	vperm.xlane v3, v2;
	v4 =	vadd.s32 v1, v4;
	_ =	sdelay $0x1  }
0x234: {  	v3 =	vadd.s32 v1, v3;
	_ =	sdelay $0x1  }
0x235: {  	s18 =	simm.s32 $0xAA00  }
0x236: {  	[tilespmem:s18], [sflag:$0x2] =	stream.indirect_vreg.gather [hbm4b:s3+s2], $0x80, v4, vm0, $0xb8;
	[tilespmem:$0x10200] =	vst v63  }
0x237: {  	s16 =	simm.s32 $0xB600  }
0x238: {  	[tilespmem:s16], [sflag:$0x2] =	stream.indirect_vreg.gather [hbm4b:s3+s2], $0x80, v3, vm0, $0xb8;
	[tilespmem:$0x10200] =	vst v63  }
0x239: {  	v3 =	vld [tilespmem:s13+$0x0];
	_ =	sdelay $0x4  }
0x23a: {  	v4 =	vshrl.u32 v3, $0x3  }
0x23b: {  	v4 =	vmul.u32 $0x18, v4  }
0x23c: {  	v3 =	vand.u32 $0x7, v3  }
0x23d: {  	v3 =	vor.u32 v3, v4  }
0x23e: {  	v4 =	vperm.xlane v3, v0;
	_ =	sdelay $0x1  }
0x23f: {  	v3 =	vperm.xlane v3, v2;
	v4 =	vadd.s32 v1, v4;
	_ =	sdelay $0x1  }
0x240: {  	v3 =	vadd.s32 v1, v3;
	_ =	sdelay $0x2  }
0x241: {  	[tilespmem:s19], [sflag:$0x2] =	stream.indirect_vreg.gather [hbm4b:s10+s2], $0x80, v4, vm0, $0xb8;
	[tilespmem:$0x10200] =	vst v63  }
0x242: {  	_ = 	snop  }
0x243: {  	[tilespmem:s20], [sflag:$0x2] =	stream.indirect_vreg.gather [hbm4b:s10+s2], $0x80, v3, vm0, $0xb8;
	[tilespmem:$0x10200] =	vst v63  }
0x244: {  	v3 =	vld [tilespmem:s13+$0x10];
	_ =	sdelay $0x4  }
0x245: {  	v4 =	vshrl.u32 v3, $0x3  }
0x246: {  	v4 =	vmul.u32 $0x18, v4  }
0x247: {  	v3 =	vand.u32 $0x7, v3  }
0x248: {  	v3 =	vor.u32 v3, v4  }
0x249: {  	v4 =	vperm.xlane v3, v0;
	_ =	sdelay $0x1  }
0x24a: {  	v3 =	vperm.xlane v3, v2;
	v4 =	vadd.s32 v1, v4;
	_ =	sdelay $0x1  }
0x24b: {  	v3 =	vadd.s32 v1, v3;
	_ =	sdelay $0x2  }
0x24c: {  	[tilespmem:s21], [sflag:$0x2] =	stream.indirect_vreg.gather [hbm4b:s10+s2], $0x80, v4, vm0, $0xb8;
	[tilespmem:$0x10200] =	vst v63  }
0x24d: {  	_ = 	snop  }
0x24e: {  	[tilespmem:s22], [sflag:$0x2] =	stream.indirect_vreg.gather [hbm4b:s10+s2], $0x80, v3, vm0, $0xb8;
	[tilespmem:$0x10200] =	vst v63  }
0x24f: {  	v3 =	vld [tilespmem:s13+$0x20];
	_ =	sdelay $0x4  }
0x250: {  	v4 =	vshrl.u32 v3, $0x3  }
0x251: {  	v4 =	vmul.u32 $0x18, v4  }
0x252: {  	v3 =	vand.u32 $0x7, v3  }
0x253: {  	v3 =	vor.u32 v3, v4  }
0x254: {  	v4 =	vperm.xlane v3, v0;
	_ =	sdelay $0x1  }
0x255: {  	v3 =	vperm.xlane v3, v2;
	v4 =	vadd.s32 v1, v4;
	_ =	sdelay $0x1  }
0x256: {  	v3 =	vadd.s32 v1, v3;
	_ =	sdelay $0x2  }
0x257: {  	[tilespmem:s23], [sflag:$0x2] =	stream.indirect_vreg.gather [hbm4b:s10+s2], $0x80, v4, vm0, $0xb8;
	[tilespmem:$0x10200] =	vst v63  }
0x258: {  	_ = 	snop  }
0x259: {  	[tilespmem:s24], [sflag:$0x2] =	stream.indirect_vreg.gather [hbm4b:s10+s2], $0x80, v3, vm0, $0xb8;
	[tilespmem:$0x10200] =	vst v63  }
0x25a: {  	v3 =	vld [tilespmem:s13+$0x30];
	_ =	sdelay $0x4  }
0x25b: {  	v4 =	vshrl.u32 v3, $0x3  }
0x25c: {  	v4 =	vmul.u32 $0x18, v4  }
0x25d: {  	v3 =	vand.u32 $0x7, v3  }
0x25e: {  	v3 =	vor.u32 v3, v4  }
0x25f: {  	v4 =	vperm.xlane v3, v0;
	_ =	sdelay $0x1  }
0x260: {  	v3 =	vperm.xlane v3, v2;
	v4 =	vadd.s32 v1, v4;
	_ =	sdelay $0x1  }
0x261: {  	v3 =	vadd.s32 v1, v3;
	_ =	sdelay $0x2  }
0x262: {  	[tilespmem:s25], [sflag:$0x2] =	stream.indirect_vreg.gather [hbm4b:s10+s2], $0x80, v4, vm0, $0xb8;
	[tilespmem:$0x10200] =	vst v63  }
0x263: {  	_ = 	snop  }
0x264: {  	[tilespmem:s26], [sflag:$0x2] =	stream.indirect_vreg.gather [hbm4b:s10+s2], $0x80, v3, vm0, $0xb8;
	[tilespmem:$0x10200] =	vst v63  }
0x265: {  	_ = 	snop  }
0x266: {  	[tilespmem:s28], [sflag:$0x2] =	stream.indirect.gather [hbm4b:s4+s0], $0x80, s13, s0, $0xb8;
	[tilespmem:$0x10200] =	vst v63  }
0x267: {  	_ =	swait.ge [sflag:s29], $0x2000  }
0x268: {  	[sflag:s29] =	ssyncset.done $0x0  }
0x269: {  	[sflag:s29] =	ssyncadd.s32 $0xFFFFE000  }
0x26a: {  	_ =	swait.ge [sflag:s29], $0x2000  }
0x26b: {  	[sflag:s29] =	ssyncset.done $0x0  }
0x26c: {  	[sflag:s29] =	ssyncadd.s32 $0xFFFFE000  }
0x26d: {  	_ =	swait.ge [sflag:s29], $0x2000  }
0x26e: {  	[sflag:s29] =	ssyncset.done $0x0  }
0x26f: {  	s17 =	simm.s32 $0xC270;
	[sflag:s29] =	ssyncadd.s32 $0xFFFFE000  }
0x270: {  	s18 =	simm.s32 $0x0;
	v3 =	vld [tilespmem:s17+$0xFFFFFFE4]  }
0x271: {  	s14 =	smul.u32 $0x3000, s18;
	_ =	sdelay $0x1  }
0x272: {  	s16 =	sand.u32 $0x380, s2;
	s14 =	sshra.s32 s14, $0x2  }
0x273: {  	s14 =	sor.u32 s16, s14  }
0x274: {  	[tilespmem:s14+$0xA00] =	vst v3  }
0x275: {  	v3 =	vld [tilespmem:s17+$0xFFFFFFF4];
	_ =	sdelay $0x4  }
0x276: {  	[tilespmem:s14+$0xA10] =	vst v3  }
0x277: {  	v3 =	vld [tilespmem:s17+$0x0];
	_ =	sdelay $0x4  }
0x278: {  	s13 =	simm.s32 $0xC2F0;
	[tilespmem:s14+$0xA1C] =	vst v3  }
0x279: {  	s16 =	simm.s32 $0x2;
	s17 =	simm.s32 $0x0;
	s14 =	simm.s32 $0x0;
	v3 =	vld [tilespmem:s13+$0xFFFFFFE4]  }
.LBB2_11:
0x27a: {  	p0 =	sne.s32 s16, $0x3F;
	s17 =	smul.u32 $0x3000, s17  }
0x27b: {  	s14 =	sadd.s32 $0x80, s14  }
0x27c: {  	s18 =	sand.u32 $0x380, s14;
	s17 =	sshra.s32 s17, $0x2  }
0x27d: {  	s17 =	sor.u32 s18, s17  }
0x27e: {  	[tilespmem:s17+$0xA00] =	vst v3  }
0x27f: {  	v3 =	vld [tilespmem:s13+$0xFFFFFFF4];
	_ =	sdelay $0x4  }
0x280: {  	[tilespmem:s17+$0xA10] =	vst v3  }
0x281: {  	v3 =	vld [tilespmem:s13+$0x0];
	_ =	sdelay $0x1  }
.Ltmp4:
0x282: {  	(pc) =	sbr.rel @p0 .LBB2_11-.Ltmp4, $3  }
0x283: {  	_ =	sdelay $0x1  }
0x284: {  	s13 =	sadd.s32 $0x80, s13;
	[tilespmem:s17+$0xA1C] =	vst v3  }
0x285: {  	s17 =	sshrl.u32 s16, $0x3;
	s16 =	sadd.s32 $0x1, s16;
	v3 =	vld [tilespmem:s13+$0xFFFFFFE4]  }
0x286: {  	s16 =	smul.u32 $0x3000, s17  }
0x287: {  	s14 =	sadd.s32 $0x80, s14  }
0x288: {  	s14 =	sand.u32 $0x380, s14;
	s16 =	sshra.s32 s16, $0x2  }
0x289: {  	s14 =	sor.u32 s14, s16  }
0x28a: {  	[tilespmem:s14+$0xA00] =	vst v3  }
0x28b: {  	v3 =	vld [tilespmem:s13+$0xFFFFFFF4];
	_ =	sdelay $0x4  }
0x28c: {  	[tilespmem:s14+$0xA10] =	vst v3  }
0x28d: {  	v3 =	vld [tilespmem:s13+$0x0];
	s13 =	sshll.u32 s11, $0x7  }
0x28e: {  	p0 =	seq.s32 s11, $0x3;
	s17 =	sadd.s32 s6, s13  }
.Ltmp5:
0x28f: {  	s16 =	sshrl.u32 s17, $0x3;
	(pc) =	sbr.rel @p0 .LBB2_14-.Ltmp5, $3  }
0x290: {  	s16 =	smul.u32 $0x180, s16;
	_ =	sdelay $0x1  }
0x291: {  	[tilespmem:s14+$0xA1C] =	vst v3;
	s18 =	sadd.s32 s7, s16  }
0x292: {  	[hbm4b:s18+s1] =	stream.linear.scatter [tilespmem:s15], [sflag:$0x3], $0x6000, $0x38;
	[tilespmem:$0x10200] =	vst v63  }
0x293: {  	_ =	swait.ge [sflag:s31], $0x6000  }
0x294: {  	[sflag:s31] =	ssyncset.done $0x0  }
0x295: {  	s13 =	sand.u32 $0x3FFFFF80, s13;
	[sflag:s31] =	ssyncadd.s32 $0xFFFFA000  }
0x296: {  	v3 =	vld [tilespmem:s13+$0x80];
	_ =	sdelay $0x4  }
0x297: {  	v4 =	vshrl.u32 v3, $0x3  }
0x298: {  	v4 =	vmul.u32 $0x18, v4  }
0x299: {  	v3 =	vand.u32 $0x7, v3  }
0x29a: {  	v3 =	vor.u32 v3, v4  }
0x29b: {  	v4 =	vperm.xlane v3, v0;
	_ =	sdelay $0x1  }
0x29c: {  	v3 =	vperm.xlane v3, v2;
	v4 =	vadd.s32 v1, v4;
	_ =	sdelay $0x1  }
0x29d: {  	v3 =	vadd.s32 v1, v3;
	_ =	sdelay $0x2  }
0x29e: {  	[tilespmem:s15], [sflag:$0x1] =	stream.indirect_vreg.gather [hbm4b:s3+s1], $0x80, v4, vm0, $0xb8;
	[tilespmem:$0x10200] =	vst v63  }
0x29f: {  	s14 =	simm.s32 $0xE00  }
0x2a0: {  	[tilespmem:s14], [sflag:$0x1] =	stream.indirect_vreg.gather [hbm4b:s3+s1], $0x80, v3, vm0, $0xb8;
	[tilespmem:$0x10200] =	vst v63  }
0x2a1: {  	v3 =	vld [tilespmem:s13+$0x90];
	_ =	sdelay $0x4  }
0x2a2: {  	v57 =	vshrl.u32 v3, $0x3  }
0x2a3: {  	v4 =	vmul.u32 $0x18, v57  }
0x2a4: {  	v3 =	vand.u32 $0x7, v3  }
0x2a5: {  	v3 =	vor.u32 v3, v4  }
0x2a6: {  	v4 =	vperm.xlane v3, v0;
	_ =	sdelay $0x1  }
0x2a7: {  	v3 =	vperm.xlane v3, v2;
	v4 =	vadd.s32 v1, v4;
	_ =	sdelay $0x1  }
0x2a8: {  	v3 =	vadd.s32 v1, v3;
	_ =	sdelay $0x1  }
0x2a9: {  	s16 =	simm.s32 $0x1A00  }
0x2aa: {  	[tilespmem:s16], [sflag:$0x1] =	stream.indirect_vreg.gather [hbm4b:s3+s1], $0x80, v4, vm0, $0xb8;
	[tilespmem:$0x10200] =	vst v63  }
0x2ab: {  	s17 =	simm.s32 $0x2600  }
0x2ac: {  	[tilespmem:s17], [sflag:$0x1] =	stream.indirect_vreg.gather [hbm4b:s3+s1], $0x80, v3, vm0, $0xb8;
	[tilespmem:$0x10200] =	vst v63  }
0x2ad: {  	v3 =	vld [tilespmem:s13+$0xA0];
	_ =	sdelay $0x4  }
0x2ae: {  	v58 =	vshrl.u32 v3, $0x3  }
0x2af: {  	v4 =	vmul.u32 $0x18, v58  }
0x2b0: {  	v3 =	vand.u32 $0x7, v3  }
0x2b1: {  	v3 =	vor.u32 v3, v4  }
0x2b2: {  	v4 =	vperm.xlane v3, v0;
	_ =	sdelay $0x1  }
0x2b3: {  	v3 =	vperm.xlane v3, v2;
	v4 =	vadd.s32 v1, v4;
	_ =	sdelay $0x1  }
0x2b4: {  	v3 =	vadd.s32 v1, v3;
	_ =	sdelay $0x1  }
0x2b5: {  	s18 =	simm.s32 $0x3200  }
0x2b6: {  	[tilespmem:s18], [sflag:$0x1] =	stream.indirect_vreg.gather [hbm4b:s3+s1], $0x80, v4, vm0, $0xb8;
	[tilespmem:$0x10200] =	vst v63  }
0x2b7: {  	s16 =	simm.s32 $0x3E00  }
0x2b8: {  	[tilespmem:s16], [sflag:$0x1] =	stream.indirect_vreg.gather [hbm4b:s3+s1], $0x80, v3, vm0, $0xb8;
	[tilespmem:$0x10200] =	vst v63  }
0x2b9: {  	v3 =	vld [tilespmem:s13+$0xB0];
	_ =	sdelay $0x4  }
0x2ba: {  	v59 =	vshrl.u32 v3, $0x3  }
0x2bb: {  	v4 =	vmul.u32 $0x18, v59  }
0x2bc: {  	v3 =	vand.u32 $0x7, v3  }
0x2bd: {  	v3 =	vor.u32 v3, v4  }
0x2be: {  	v4 =	vperm.xlane v3, v0;
	_ =	sdelay $0x1  }
0x2bf: {  	v3 =	vperm.xlane v3, v2;
	v4 =	vadd.s32 v1, v4;
	_ =	sdelay $0x1  }
0x2c0: {  	v3 =	vadd.s32 v1, v3;
	_ =	sdelay $0x1  }
0x2c1: {  	s17 =	simm.s32 $0x4A00  }
0x2c2: {  	[tilespmem:s17], [sflag:$0x1] =	stream.indirect_vreg.gather [hbm4b:s3+s1], $0x80, v4, vm0, $0xb8;
	[tilespmem:$0x10200] =	vst v63  }
0x2c3: {  	s18 =	simm.s32 $0x5600  }
0x2c4: {  	[tilespmem:s18], [sflag:$0x1] =	stream.indirect_vreg.gather [hbm4b:s3+s1], $0x80, v3, vm0, $0xb8;
	[tilespmem:$0x10200] =	vst v63  }
0x2c5: {  	v3 =	vld [tilespmem:s13+$0x80];
	_ =	sdelay $0x4  }
0x2c6: {  	v60 =	vshrl.u32 v3, $0x3  }
0x2c7: {  	v4 =	vmul.u32 $0x18, v60  }
0x2c8: {  	v3 =	vand.u32 $0x7, v3  }
0x2c9: {  	v3 =	vor.u32 v3, v4  }
0x2ca: {  	v4 =	vperm.xlane v3, v0;
	_ =	sdelay $0x1  }
0x2cb: {  	v3 =	vperm.xlane v3, v2;
	v4 =	vadd.s32 v1, v4;
	_ =	sdelay $0x1  }
0x2cc: {  	v3 =	vadd.s32 v1, v3;
	_ =	sdelay $0x1  }
0x2cd: {  	s16 =	simm.s32 $0x600  }
0x2ce: {  	[tilespmem:s16], [sflag:$0x1] =	stream.indirect_vreg.gather [hbm4b:s10+s1], $0x80, v4, vm0, $0xb8;
	[tilespmem:$0x10200] =	vst v63  }
0x2cf: {  	s17 =	simm.s32 $0x1200  }
0x2d0: {  	[tilespmem:s17], [sflag:$0x1] =	stream.indirect_vreg.gather [hbm4b:s10+s1], $0x80, v3, vm0, $0xb8;
	[tilespmem:$0x10200] =	vst v63  }
0x2d1: {  	v3 =	vld [tilespmem:s13+$0x90];
	_ =	sdelay $0x4  }
0x2d2: {  	v61 =	vshrl.u32 v3, $0x3  }
0x2d3: {  	v4 =	vmul.u32 $0x18, v61  }
0x2d4: {  	v3 =	vand.u32 $0x7, v3  }
0x2d5: {  	v3 =	vor.u32 v3, v4  }
0x2d6: {  	v4 =	vperm.xlane v3, v0;
	_ =	sdelay $0x1  }
0x2d7: {  	v3 =	vperm.xlane v3, v2;
	v4 =	vadd.s32 v1, v4;
	_ =	sdelay $0x1  }
0x2d8: {  	v3 =	vadd.s32 v1, v3;
	_ =	sdelay $0x1  }
0x2d9: {  	s18 =	simm.s32 $0x1E00  }
0x2da: {  	[tilespmem:s18], [sflag:$0x1] =	stream.indirect_vreg.gather [hbm4b:s10+s1], $0x80, v4, vm0, $0xb8;
	[tilespmem:$0x10200] =	vst v63  }
0x2db: {  	s16 =	simm.s32 $0x2A00  }
0x2dc: {  	[tilespmem:s16], [sflag:$0x1] =	stream.indirect_vreg.gather [hbm4b:s10+s1], $0x80, v3, vm0, $0xb8;
	[tilespmem:$0x10200] =	vst v63  }
0x2dd: {  	v3 =	vld [tilespmem:s13+$0xA0];
	_ =	sdelay $0x4  }
0x2de: {  	v62 =	vshrl.u32 v3, $0x3  }
0x2df: {  	v4 =	vmul.u32 $0x18, v62  }
0x2e0: {  	v3 =	vand.u32 $0x7, v3  }
0x2e1: {  	v3 =	vor.u32 v3, v4  }
0x2e2: {  	v4 =	vperm.xlane v3, v0;
	_ =	sdelay $0x1  }
0x2e3: {  	v3 =	vperm.xlane v3, v2;
	v4 =	vadd.s32 v1, v4;
	_ =	sdelay $0x1  }
0x2e4: {  	v3 =	vadd.s32 v1, v3;
	_ =	sdelay $0x1  }
0x2e5: {  	s17 =	simm.s32 $0x3600  }
0x2e6: {  	[tilespmem:s17], [sflag:$0x1] =	stream.indirect_vreg.gather [hbm4b:s10+s1], $0x80, v4, vm0, $0xb8;
	[tilespmem:$0x10200] =	vst v63  }
0x2e7: {  	s18 =	simm.s32 $0x4200  }
0x2e8: {  	[tilespmem:s18], [sflag:$0x1] =	stream.indirect_vreg.gather [hbm4b:s10+s1], $0x80, v3, vm0, $0xb8;
	[tilespmem:$0x10200] =	vst v63  }
0x2e9: {  	v3 =	vld [tilespmem:s13+$0xB0];
	_ =	sdelay $0x4  }
0x2ea: {  	v63 =	vshrl.u32 v3, $0x3  }
0x2eb: {  	v4 =	vmul.u32 $0x18, v63  }
0x2ec: {  	v3 =	vand.u32 $0x7, v3  }
0x2ed: {  	v3 =	vor.u32 v3, v4  }
0x2ee: {  	v4 =	vperm.xlane v3, v0;
	_ =	sdelay $0x1  }
0x2ef: {  	v3 =	vperm.xlane v3, v2;
	v4 =	vadd.s32 v1, v4;
	_ =	sdelay $0x1  }
0x2f0: {  	v3 =	vadd.s32 v1, v3;
	_ =	sdelay $0x1  }
0x2f1: {  	s16 =	simm.s32 $0x4E00  }
0x2f2: {  	[tilespmem:s16], [sflag:$0x1] =	stream.indirect_vreg.gather [hbm4b:s10+s1], $0x80, v4, vm0, $0xb8;
	[tilespmem:$0x10200] =	vst v63  }
0x2f3: {  	s17 =	simm.s32 $0x5A00  }
0x2f4: {  	[tilespmem:s17], [sflag:$0x1] =	stream.indirect_vreg.gather [hbm4b:s10+s1], $0x80, v3, vm0, $0xb8;
	[tilespmem:$0x10200] =	vst v63  }
0x2f5: {  	s18 =	simm.s32 $0xC200;
	s13 =	sadd.s32 $0x80, s13  }
0x2f6: {  	[tilespmem:s18], [sflag:$0x1] =	stream.indirect.gather [hbm4b:s4+s0], $0x80, s13, s0, $0xb8;
	[tilespmem:$0x10200] =	vst v63  }
.LBB2_14:
0x2f7: {  	_ =	swait.ge [sflag:s30], $0x2000  }
0x2f8: {  	[sflag:s30] =	ssyncset.done $0x0  }
0x2f9: {  	[sflag:s30] =	ssyncadd.s32 $0xFFFFE000  }
0x2fa: {  	_ =	swait.ge [sflag:s30], $0x2000  }
0x2fb: {  	[sflag:s30] =	ssyncset.done $0x0  }
0x2fc: {  	[sflag:s30] =	ssyncadd.s32 $0xFFFFE000  }
0x2fd: {  	_ =	swait.ge [sflag:s30], $0x2000  }
0x2fe: {  	[sflag:s30] =	ssyncset.done $0x0  }
0x2ff: {  	s14 =	simm.s32 $0xE270;
	[sflag:s30] =	ssyncadd.s32 $0xFFFFE000  }
0x300: {  	s13 =	simm.s32 $0x0;
	v3 =	vld [tilespmem:s14+$0xFFFFFFE4]  }
0x301: {  	s16 =	smul.u32 $0x3000, s13  }
0x302: {  	s13 =	simm.s32 $0x0  }
0x303: {  	s17 =	sand.u32 $0x380, s13;
	s16 =	sshra.s32 s16, $0x2  }
0x304: {  	s16 =	sor.u32 s17, s16  }
0x305: {  	[tilespmem:s16+$0x6A00] =	vst v3  }
0x306: {  	v3 =	vld [tilespmem:s14+$0xFFFFFFF4];
	_ =	sdelay $0x4  }
0x307: {  	[tilespmem:s16+$0x6A10] =	vst v3  }
0x308: {  	v3 =	vld [tilespmem:s14+$0x0];
	_ =	sdelay $0x4  }
0x309: {  	s14 =	simm.s32 $0xE2F0;
	[tilespmem:s16+$0x6A1C] =	vst v3  }
0x30a: {  	s17 =	simm.s32 $0x0;
	s16 =	simm.s32 $0x2;
	v3 =	vld [tilespmem:s14+$0xFFFFFFE4]  }
.LBB2_15:
0x30b: {  	p0 =	sne.s32 s16, $0x3F;
	s17 =	smul.u32 $0x3000, s17  }
0x30c: {  	s13 =	sadd.s32 $0x80, s13  }
0x30d: {  	s18 =	sand.u32 $0x380, s13;
	s17 =	sshra.s32 s17, $0x2  }
0x30e: {  	s17 =	sor.u32 s18, s17  }
0x30f: {  	[tilespmem:s17+$0x6A00] =	vst v3  }
0x310: {  	v3 =	vld [tilespmem:s14+$0xFFFFFFF4];
	_ =	sdelay $0x4  }
0x311: {  	[tilespmem:s17+$0x6A10] =	vst v3  }
0x312: {  	v3 =	vld [tilespmem:s14+$0x0];
	_ =	sdelay $0x1  }
.Ltmp6:
0x313: {  	(pc) =	sbr.rel @p0 .LBB2_15-.Ltmp6, $3  }
0x314: {  	_ =	sdelay $0x1  }
0x315: {  	s14 =	sadd.s32 $0x80, s14;
	[tilespmem:s17+$0x6A1C] =	vst v3  }
0x316: {  	s17 =	sshrl.u32 s16, $0x3;
	s16 =	sadd.s32 $0x1, s16;
	v3 =	vld [tilespmem:s14+$0xFFFFFFE4]  }
0x317: {  	s16 =	smul.u32 $0x3000, s17  }
0x318: {  	s13 =	sadd.s32 $0x80, s13  }
0x319: {  	s13 =	sand.u32 $0x380, s13;
	s16 =	sshra.s32 s16, $0x2  }
0x31a: {  	s13 =	sor.u32 s13, s16  }
0x31b: {  	[tilespmem:s13+$0x6A00] =	vst v3  }
0x31c: {  	v3 =	vld [tilespmem:s14+$0xFFFFFFF4];
	_ =	sdelay $0x4  }
0x31d: {  	[tilespmem:s13+$0x6A10] =	vst v3  }
0x31e: {  	s11 =	sadd.s32 $0x1, s11;
	v3 =	vld [tilespmem:s14+$0x0]  }
0x31f: {  	s12 =	sadd.s32 s6, s12;
	p0 =	sne.s32 s11, $0x4  }
.Ltmp7:
0x320: {  	s12 =	sshrl.u32 s12, $0x3;
	(pc) =	sbr.rel @p0 .LBB2_10-.Ltmp7, $3  }
0x321: {  	s12 =	smul.u32 $0x180, s12;
	_ =	sdelay $0x1  }
0x322: {  	s12 =	sadd.s32 s7, s12;
	[tilespmem:s13+$0x6A1C] =	vst v3  }
0x323: {  	[hbm4b:s12+s1] =	stream.linear.scatter [tilespmem:s9], [sflag:$0x4], $0x6000, $0x38;
	[tilespmem:$0x10200] =	vst v63  }
0x324: {  	_ =	swait.ge [sflag:s31], $0x6000  }
0x325: {  	[sflag:s31] =	ssyncset.done $0x0  }
0x326: {  	s2 =	simm.s32 $0x4;
	[sflag:s31] =	ssyncadd.s32 $0xFFFFA000  }
0x327: {  	_ =	swait.ge [sflag:s2], $0x6000  }
0x328: {  	s13 =	simm.s32 $0x5;
	[sflag:s2] =	ssyncset.done $0x0  }
0x329: {  	s11 =	rddreg [dreg:$0x7];
	[sflag:s2] =	ssyncadd.s32 $0xFFFFA000;
	s2 =	simm.s32 $0x0  }
0x32a: {  	[tilespmem:s2], [sflag:$0x5] =	stream.linear.gather [hbm4b:s11+s2], $0x200, $0x38;
	[tilespmem:$0x10200] =	vst v63  }
0x32b: {  	_ =	swait.ge [sflag:s13], $0x200  }
0x32c: {  	[sflag:s13] =	ssyncset.done $0x0  }
0x32d: {  	[sflag:s13] =	ssyncadd.s32 $0xFFFFFE00  }
0x32e: {  	v3 =	vld [tilespmem:$0x0];
	_ =	sdelay $0x4  }
0x32f: {  	v4 =	vshrl.u32 v3, $0x3  }
0x330: {  	v4 =	vmul.u32 $0x18, v4  }
0x331: {  	v3 =	vand.u32 $0x7, v3  }
0x332: {  	v3 =	vor.u32 v3, v4  }
0x333: {  	v4 =	vperm.xlane v3, v0;
	_ =	sdelay $0x1  }
0x334: {  	v3 =	vperm.xlane v3, v2;
	v4 =	vadd.s32 v1, v4;
	_ =	sdelay $0x1  }
0x335: {  	v3 =	vadd.s32 v1, v3;
	_ =	sdelay $0x2  }
0x336: {  	[tilespmem:s15], [sflag:$0x1] =	stream.indirect_vreg.gather [hbm4b:s3+s2], $0x80, v4, vm0, $0xb8;
	[tilespmem:$0x10200] =	vst v63  }
0x337: {  	s14 =	simm.s32 $0xE00  }
0x338: {  	[tilespmem:s14], [sflag:$0x1] =	stream.indirect_vreg.gather [hbm4b:s3+s2], $0x80, v3, vm0, $0xb8;
	[tilespmem:$0x10200] =	vst v63  }
0x339: {  	v3 =	vld [tilespmem:$0x10];
	_ =	sdelay $0x4  }
0x33a: {  	v57 =	vshrl.u32 v3, $0x3  }
0x33b: {  	v4 =	vmul.u32 $0x18, v57  }
0x33c: {  	v3 =	vand.u32 $0x7, v3  }
0x33d: {  	v3 =	vor.u32 v3, v4  }
0x33e: {  	v4 =	vperm.xlane v3, v0;
	_ =	sdelay $0x1  }
0x33f: {  	v3 =	vperm.xlane v3, v2;
	v4 =	vadd.s32 v1, v4;
	_ =	sdelay $0x1  }
0x340: {  	v3 =	vadd.s32 v1, v3;
	_ =	sdelay $0x1  }
0x341: {  	s16 =	simm.s32 $0x1A00  }
0x342: {  	[tilespmem:s16], [sflag:$0x1] =	stream.indirect_vreg.gather [hbm4b:s3+s2], $0x80, v4, vm0, $0xb8;
	[tilespmem:$0x10200] =	vst v63  }
0x343: {  	s17 =	simm.s32 $0x2600  }
0x344: {  	[tilespmem:s17], [sflag:$0x1] =	stream.indirect_vreg.gather [hbm4b:s3+s2], $0x80, v3, vm0, $0xb8;
	[tilespmem:$0x10200] =	vst v63  }
0x345: {  	v3 =	vld [tilespmem:$0x20];
	_ =	sdelay $0x4  }
0x346: {  	v58 =	vshrl.u32 v3, $0x3  }
0x347: {  	v4 =	vmul.u32 $0x18, v58  }
0x348: {  	v3 =	vand.u32 $0x7, v3  }
0x349: {  	v3 =	vor.u32 v3, v4  }
0x34a: {  	v4 =	vperm.xlane v3, v0;
	_ =	sdelay $0x1  }
0x34b: {  	v3 =	vperm.xlane v3, v2;
	v4 =	vadd.s32 v1, v4;
	_ =	sdelay $0x1  }
0x34c: {  	v3 =	vadd.s32 v1, v3;
	_ =	sdelay $0x1  }
0x34d: {  	s18 =	simm.s32 $0x3200  }
0x34e: {  	[tilespmem:s18], [sflag:$0x1] =	stream.indirect_vreg.gather [hbm4b:s3+s2], $0x80, v4, vm0, $0xb8;
	[tilespmem:$0x10200] =	vst v63  }
0x34f: {  	s12 =	simm.s32 $0x3E00  }
0x350: {  	[tilespmem:s12], [sflag:$0x1] =	stream.indirect_vreg.gather [hbm4b:s3+s2], $0x80, v3, vm0, $0xb8;
	[tilespmem:$0x10200] =	vst v63  }
0x351: {  	v3 =	vld [tilespmem:$0x30];
	_ =	sdelay $0x4  }
0x352: {  	v59 =	vshrl.u32 v3, $0x3  }
0x353: {  	v4 =	vmul.u32 $0x18, v59  }
0x354: {  	v3 =	vand.u32 $0x7, v3  }
0x355: {  	v3 =	vor.u32 v3, v4  }
0x356: {  	v4 =	vperm.xlane v3, v0;
	_ =	sdelay $0x1  }
0x357: {  	v3 =	vperm.xlane v3, v2;
	v4 =	vadd.s32 v1, v4;
	_ =	sdelay $0x1  }
0x358: {  	v3 =	vadd.s32 v1, v3;
	_ =	sdelay $0x1  }
0x359: {  	s13 =	simm.s32 $0x4A00  }
0x35a: {  	[tilespmem:s13], [sflag:$0x1] =	stream.indirect_vreg.gather [hbm4b:s3+s2], $0x80, v4, vm0, $0xb8;
	[tilespmem:$0x10200] =	vst v63  }
0x35b: {  	s14 =	simm.s32 $0x5600  }
0x35c: {  	[tilespmem:s14], [sflag:$0x1] =	stream.indirect_vreg.gather [hbm4b:s3+s2], $0x80, v3, vm0, $0xb8;
	[tilespmem:$0x10200] =	vst v63  }
0x35d: {  	v3 =	vld [tilespmem:$0x0];
	_ =	sdelay $0x4  }
0x35e: {  	v60 =	vshrl.u32 v3, $0x3  }
0x35f: {  	v4 =	vmul.u32 $0x18, v60  }
0x360: {  	v3 =	vand.u32 $0x7, v3  }
0x361: {  	v3 =	vor.u32 v3, v4  }
0x362: {  	v4 =	vperm.xlane v3, v0;
	_ =	sdelay $0x1  }
0x363: {  	v3 =	vperm.xlane v3, v2;
	v4 =	vadd.s32 v1, v4;
	_ =	sdelay $0x1  }
0x364: {  	v3 =	vadd.s32 v1, v3;
	_ =	sdelay $0x1  }
0x365: {  	s16 =	simm.s32 $0x600  }
0x366: {  	[tilespmem:s16], [sflag:$0x1] =	stream.indirect_vreg.gather [hbm4b:s10+s2], $0x80, v4, vm0, $0xb8;
	[tilespmem:$0x10200] =	vst v63  }
0x367: {  	s17 =	simm.s32 $0x1200  }
0x368: {  	[tilespmem:s17], [sflag:$0x1] =	stream.indirect_vreg.gather [hbm4b:s10+s2], $0x80, v3, vm0, $0xb8;
	[tilespmem:$0x10200] =	vst v63  }
0x369: {  	v3 =	vld [tilespmem:$0x10];
	_ =	sdelay $0x4  }
0x36a: {  	v61 =	vshrl.u32 v3, $0x3  }
0x36b: {  	v4 =	vmul.u32 $0x18, v61  }
0x36c: {  	v3 =	vand.u32 $0x7, v3  }
0x36d: {  	v3 =	vor.u32 v3, v4  }
0x36e: {  	v4 =	vperm.xlane v3, v0;
	_ =	sdelay $0x1  }
0x36f: {  	v3 =	vperm.xlane v3, v2;
	v4 =	vadd.s32 v1, v4;
	_ =	sdelay $0x1  }
0x370: {  	v3 =	vadd.s32 v1, v3;
	_ =	sdelay $0x1  }
0x371: {  	s18 =	simm.s32 $0x1E00  }
0x372: {  	[tilespmem:s18], [sflag:$0x1] =	stream.indirect_vreg.gather [hbm4b:s10+s2], $0x80, v4, vm0, $0xb8;
	[tilespmem:$0x10200] =	vst v63  }
0x373: {  	s12 =	simm.s32 $0x2A00  }
0x374: {  	[tilespmem:s12], [sflag:$0x1] =	stream.indirect_vreg.gather [hbm4b:s10+s2], $0x80, v3, vm0, $0xb8;
	[tilespmem:$0x10200] =	vst v63  }
0x375: {  	v3 =	vld [tilespmem:$0x20];
	_ =	sdelay $0x4  }
0x376: {  	v62 =	vshrl.u32 v3, $0x3  }
0x377: {  	v4 =	vmul.u32 $0x18, v62  }
0x378: {  	v3 =	vand.u32 $0x7, v3  }
0x379: {  	v3 =	vor.u32 v3, v4  }
0x37a: {  	v4 =	vperm.xlane v3, v0;
	_ =	sdelay $0x1  }
0x37b: {  	v3 =	vperm.xlane v3, v2;
	v4 =	vadd.s32 v1, v4;
	_ =	sdelay $0x1  }
0x37c: {  	v3 =	vadd.s32 v1, v3;
	_ =	sdelay $0x1  }
0x37d: {  	s13 =	simm.s32 $0x3600  }
0x37e: {  	[tilespmem:s13], [sflag:$0x1] =	stream.indirect_vreg.gather [hbm4b:s10+s2], $0x80, v4, vm0, $0xb8;
	[tilespmem:$0x10200] =	vst v63  }
0x37f: {  	s14 =	simm.s32 $0x4200  }
0x380: {  	[tilespmem:s14], [sflag:$0x1] =	stream.indirect_vreg.gather [hbm4b:s10+s2], $0x80, v3, vm0, $0xb8;
	[tilespmem:$0x10200] =	vst v63  }
0x381: {  	v3 =	vld [tilespmem:$0x30];
	_ =	sdelay $0x4  }
0x382: {  	v63 =	vshrl.u32 v3, $0x3  }
0x383: {  	v4 =	vmul.u32 $0x18, v63  }
0x384: {  	v3 =	vand.u32 $0x7, v3  }
0x385: {  	v3 =	vor.u32 v3, v4  }
0x386: {  	v4 =	vperm.xlane v3, v0;
	_ =	sdelay $0x1  }
0x387: {  	v3 =	vperm.xlane v3, v2;
	v4 =	vadd.s32 v1, v4;
	_ =	sdelay $0x1  }
0x388: {  	v3 =	vadd.s32 v1, v3;
	_ =	sdelay $0x1  }
0x389: {  	s16 =	simm.s32 $0x4E00  }
0x38a: {  	[tilespmem:s16], [sflag:$0x1] =	stream.indirect_vreg.gather [hbm4b:s10+s2], $0x80, v4, vm0, $0xb8;
	[tilespmem:$0x10200] =	vst v63  }
0x38b: {  	s17 =	simm.s32 $0x5A00  }
0x38c: {  	[tilespmem:s17], [sflag:$0x1] =	stream.indirect_vreg.gather [hbm4b:s10+s2], $0x80, v3, vm0, $0xb8;
	[tilespmem:$0x10200] =	vst v63  }
0x38d: {  	s11 =	simm.s32 $0x0;
	s18 =	simm.s32 $0xC200  }
0x38e: {  	[tilespmem:s18], [sflag:$0x1] =	stream.indirect.gather [hbm4b:s4+s0], $0x80, s2, s0, $0xb8;
	[tilespmem:$0x10200] =	vst v63  }
.LBB2_18:
0x38f: {  	p0 =	seq.s32 s11, $0x0  }
0x390: {  	s13 =	simm.s32 @!p0 $0x4  }
0x391: {  	s12 =	sshllo.u32 s11, $0x1;
	_ =	swait.ge @!p0 [sflag:s13], $0x6000  }
0x392: {  	s12 =	sshll.u32 s12, $0x6;
	[sflag:s13] =	ssyncset.done @!p0 $0x0  }
0x393: {  	[sflag:s13] =	ssyncadd.s32 @!p0 $0xFFFFA000;
	s13 =	sand.u32 $0x3FFFFFC0, s12  }
0x394: {  	v3 =	vld [tilespmem:s13+$0x0];
	_ =	sdelay $0x4  }
0x395: {  	v4 =	vshrl.u32 v3, $0x3  }
0x396: {  	v4 =	vmul.u32 $0x18, v4  }
0x397: {  	v3 =	vand.u32 $0x7, v3  }
0x398: {  	v3 =	vor.u32 v3, v4  }
0x399: {  	v4 =	vperm.xlane v3, v0;
	_ =	sdelay $0x1  }
0x39a: {  	v3 =	vperm.xlane v3, v2;
	v4 =	vadd.s32 v1, v4;
	_ =	sdelay $0x1  }
0x39b: {  	v3 =	vadd.s32 v1, v3;
	_ =	sdelay $0x2  }
0x39c: {  	[tilespmem:s9], [sflag:$0x2] =	stream.indirect_vreg.gather [hbm4b:s3+s2], $0x80, v4, vm0, $0xb8;
	[tilespmem:$0x10200] =	vst v63  }
0x39d: {  	s14 =	simm.s32 $0x6E00  }
0x39e: {  	[tilespmem:s14], [sflag:$0x2] =	stream.indirect_vreg.gather [hbm4b:s3+s2], $0x80, v3, vm0, $0xb8;
	[tilespmem:$0x10200] =	vst v63  }
0x39f: {  	v3 =	vld [tilespmem:s13+$0x10];
	_ =	sdelay $0x4  }
0x3a0: {  	v4 =	vshrl.u32 v3, $0x3  }
0x3a1: {  	v4 =	vmul.u32 $0x18, v4  }
0x3a2: {  	v3 =	vand.u32 $0x7, v3  }
0x3a3: {  	v3 =	vor.u32 v3, v4  }
0x3a4: {  	v4 =	vperm.xlane v3, v0;
	_ =	sdelay $0x1  }
0x3a5: {  	v3 =	vperm.xlane v3, v2;
	v4 =	vadd.s32 v1, v4;
	_ =	sdelay $0x1  }
0x3a6: {  	v3 =	vadd.s32 v1, v3;
	_ =	sdelay $0x1  }
0x3a7: {  	s17 =	simm.s32 $0x7A00  }
0x3a8: {  	[tilespmem:s17], [sflag:$0x2] =	stream.indirect_vreg.gather [hbm4b:s3+s2], $0x80, v4, vm0, $0xb8;
	[tilespmem:$0x10200] =	vst v63  }
0x3a9: {  	s18 =	simm.s32 $0x8600  }
0x3aa: {  	[tilespmem:s18], [sflag:$0x2] =	stream.indirect_vreg.gather [hbm4b:s3+s2], $0x80, v3, vm0, $0xb8;
	[tilespmem:$0x10200] =	vst v63  }
0x3ab: {  	v3 =	vld [tilespmem:s13+$0x20];
	_ =	sdelay $0x4  }
0x3ac: {  	v4 =	vshrl.u32 v3, $0x3  }
0x3ad: {  	v4 =	vmul.u32 $0x18, v4  }
0x3ae: {  	v3 =	vand.u32 $0x7, v3  }
0x3af: {  	v3 =	vor.u32 v3, v4  }
0x3b0: {  	v4 =	vperm.xlane v3, v0;
	_ =	sdelay $0x1  }
0x3b1: {  	v3 =	vperm.xlane v3, v2;
	v4 =	vadd.s32 v1, v4;
	_ =	sdelay $0x1  }
0x3b2: {  	v3 =	vadd.s32 v1, v3;
	_ =	sdelay $0x1  }
0x3b3: {  	s16 =	simm.s32 $0x9200  }
0x3b4: {  	[tilespmem:s16], [sflag:$0x2] =	stream.indirect_vreg.gather [hbm4b:s3+s2], $0x80, v4, vm0, $0xb8;
	[tilespmem:$0x10200] =	vst v63  }
0x3b5: {  	s17 =	simm.s32 $0x9E00  }
0x3b6: {  	[tilespmem:s17], [sflag:$0x2] =	stream.indirect_vreg.gather [hbm4b:s3+s2], $0x80, v3, vm0, $0xb8;
	[tilespmem:$0x10200] =	vst v63  }
0x3b7: {  	v3 =	vld [tilespmem:s13+$0x30];
	_ =	sdelay $0x4  }
0x3b8: {  	v4 =	vshrl.u32 v3, $0x3  }
0x3b9: {  	v4 =	vmul.u32 $0x18, v4  }
0x3ba: {  	v3 =	vand.u32 $0x7, v3  }
0x3bb: {  	v3 =	vor.u32 v3, v4  }
0x3bc: {  	v4 =	vperm.xlane v3, v0;
	_ =	sdelay $0x1  }
0x3bd: {  	v3 =	vperm.xlane v3, v2;
	v4 =	vadd.s32 v1, v4;
	_ =	sdelay $0x1  }
0x3be: {  	v3 =	vadd.s32 v1, v3;
	_ =	sdelay $0x1  }
0x3bf: {  	s18 =	simm.s32 $0xAA00  }
0x3c0: {  	[tilespmem:s18], [sflag:$0x2] =	stream.indirect_vreg.gather [hbm4b:s3+s2], $0x80, v4, vm0, $0xb8;
	[tilespmem:$0x10200] =	vst v63  }
0x3c1: {  	s16 =	simm.s32 $0xB600  }
0x3c2: {  	[tilespmem:s16], [sflag:$0x2] =	stream.indirect_vreg.gather [hbm4b:s3+s2], $0x80, v3, vm0, $0xb8;
	[tilespmem:$0x10200] =	vst v63  }
0x3c3: {  	v3 =	vld [tilespmem:s13+$0x0];
	_ =	sdelay $0x4  }
0x3c4: {  	v4 =	vshrl.u32 v3, $0x3  }
0x3c5: {  	v4 =	vmul.u32 $0x18, v4  }
0x3c6: {  	v3 =	vand.u32 $0x7, v3  }
0x3c7: {  	v3 =	vor.u32 v3, v4  }
0x3c8: {  	v4 =	vperm.xlane v3, v0;
	_ =	sdelay $0x1  }
0x3c9: {  	v3 =	vperm.xlane v3, v2;
	v4 =	vadd.s32 v1, v4;
	_ =	sdelay $0x1  }
0x3ca: {  	v3 =	vadd.s32 v1, v3;
	_ =	sdelay $0x2  }
0x3cb: {  	[tilespmem:s19], [sflag:$0x2] =	stream.indirect_vreg.gather [hbm4b:s10+s2], $0x80, v4, vm0, $0xb8;
	[tilespmem:$0x10200] =	vst v63  }
0x3cc: {  	_ = 	snop  }
0x3cd: {  	[tilespmem:s20], [sflag:$0x2] =	stream.indirect_vreg.gather [hbm4b:s10+s2], $0x80, v3, vm0, $0xb8;
	[tilespmem:$0x10200] =	vst v63  }
0x3ce: {  	v3 =	vld [tilespmem:s13+$0x10];
	_ =	sdelay $0x4  }
0x3cf: {  	v4 =	vshrl.u32 v3, $0x3  }
0x3d0: {  	v4 =	vmul.u32 $0x18, v4  }
0x3d1: {  	v3 =	vand.u32 $0x7, v3  }
0x3d2: {  	v3 =	vor.u32 v3, v4  }
0x3d3: {  	v4 =	vperm.xlane v3, v0;
	_ =	sdelay $0x1  }
0x3d4: {  	v3 =	vperm.xlane v3, v2;
	v4 =	vadd.s32 v1, v4;
	_ =	sdelay $0x1  }
0x3d5: {  	v3 =	vadd.s32 v1, v3;
	_ =	sdelay $0x2  }
0x3d6: {  	[tilespmem:s21], [sflag:$0x2] =	stream.indirect_vreg.gather [hbm4b:s10+s2], $0x80, v4, vm0, $0xb8;
	[tilespmem:$0x10200] =	vst v63  }
0x3d7: {  	_ = 	snop  }
0x3d8: {  	[tilespmem:s22], [sflag:$0x2] =	stream.indirect_vreg.gather [hbm4b:s10+s2], $0x80, v3, vm0, $0xb8;
	[tilespmem:$0x10200] =	vst v63  }
0x3d9: {  	v3 =	vld [tilespmem:s13+$0x20];
	_ =	sdelay $0x4  }
0x3da: {  	v4 =	vshrl.u32 v3, $0x3  }
0x3db: {  	v4 =	vmul.u32 $0x18, v4  }
0x3dc: {  	v3 =	vand.u32 $0x7, v3  }
0x3dd: {  	v3 =	vor.u32 v3, v4  }
0x3de: {  	v4 =	vperm.xlane v3, v0;
	_ =	sdelay $0x1  }
0x3df: {  	v3 =	vperm.xlane v3, v2;
	v4 =	vadd.s32 v1, v4;
	_ =	sdelay $0x1  }
0x3e0: {  	v3 =	vadd.s32 v1, v3;
	_ =	sdelay $0x2  }
0x3e1: {  	[tilespmem:s23], [sflag:$0x2] =	stream.indirect_vreg.gather [hbm4b:s10+s2], $0x80, v4, vm0, $0xb8;
	[tilespmem:$0x10200] =	vst v63  }
0x3e2: {  	_ = 	snop  }
0x3e3: {  	[tilespmem:s24], [sflag:$0x2] =	stream.indirect_vreg.gather [hbm4b:s10+s2], $0x80, v3, vm0, $0xb8;
	[tilespmem:$0x10200] =	vst v63  }
0x3e4: {  	v3 =	vld [tilespmem:s13+$0x30];
	_ =	sdelay $0x4  }
0x3e5: {  	v4 =	vshrl.u32 v3, $0x3  }
0x3e6: {  	v4 =	vmul.u32 $0x18, v4  }
0x3e7: {  	v3 =	vand.u32 $0x7, v3  }
0x3e8: {  	v3 =	vor.u32 v3, v4  }
0x3e9: {  	v4 =	vperm.xlane v3, v0;
	_ =	sdelay $0x1  }
0x3ea: {  	v3 =	vperm.xlane v3, v2;
	v4 =	vadd.s32 v1, v4;
	_ =	sdelay $0x1  }
0x3eb: {  	v3 =	vadd.s32 v1, v3;
	_ =	sdelay $0x2  }
0x3ec: {  	[tilespmem:s25], [sflag:$0x2] =	stream.indirect_vreg.gather [hbm4b:s10+s2], $0x80, v4, vm0, $0xb8;
	[tilespmem:$0x10200] =	vst v63  }
0x3ed: {  	_ = 	snop  }
0x3ee: {  	[tilespmem:s26], [sflag:$0x2] =	stream.indirect_vreg.gather [hbm4b:s10+s2], $0x80, v3, vm0, $0xb8;
	[tilespmem:$0x10200] =	vst v63  }
0x3ef: {  	_ = 	snop  }
0x3f0: {  	[tilespmem:s28], [sflag:$0x2] =	stream.indirect.gather [hbm4b:s4+s0], $0x80, s13, s0, $0xb8;
	[tilespmem:$0x10200] =	vst v63  }
0x3f1: {  	_ =	swait.ge [sflag:s29], $0x2000  }
0x3f2: {  	[sflag:s29] =	ssyncset.done $0x0  }
0x3f3: {  	[sflag:s29] =	ssyncadd.s32 $0xFFFFE000  }
0x3f4: {  	_ =	swait.ge [sflag:s29], $0x2000  }
0x3f5: {  	[sflag:s29] =	ssyncset.done $0x0  }
0x3f6: {  	[sflag:s29] =	ssyncadd.s32 $0xFFFFE000  }
0x3f7: {  	_ =	swait.ge [sflag:s29], $0x2000  }
0x3f8: {  	[sflag:s29] =	ssyncset.done $0x0  }
0x3f9: {  	s17 =	simm.s32 $0xC270;
	[sflag:s29] =	ssyncadd.s32 $0xFFFFE000  }
0x3fa: {  	s18 =	simm.s32 $0x0;
	v3 =	vld [tilespmem:s17+$0xFFFFFFE4]  }
0x3fb: {  	s14 =	smul.u32 $0x3000, s18;
	_ =	sdelay $0x1  }
0x3fc: {  	s16 =	sand.u32 $0x380, s2;
	s14 =	sshra.s32 s14, $0x2  }
0x3fd: {  	s14 =	sor.u32 s16, s14  }
0x3fe: {  	[tilespmem:s14+$0xA00] =	vst v3  }
0x3ff: {  	v3 =	vld [tilespmem:s17+$0xFFFFFFF4];
	_ =	sdelay $0x4  }
0x400: {  	[tilespmem:s14+$0xA10] =	vst v3  }
0x401: {  	v3 =	vld [tilespmem:s17+$0x0];
	_ =	sdelay $0x4  }
0x402: {  	s13 =	simm.s32 $0xC2F0;
	[tilespmem:s14+$0xA1C] =	vst v3  }
0x403: {  	s16 =	simm.s32 $0x2;
	s17 =	simm.s32 $0x0;
	s14 =	simm.s32 $0x0;
	v3 =	vld [tilespmem:s13+$0xFFFFFFE4]  }
.LBB2_19:
0x404: {  	p0 =	sne.s32 s16, $0x3F;
	s17 =	smul.u32 $0x3000, s17  }
0x405: {  	s14 =	sadd.s32 $0x80, s14  }
0x406: {  	s18 =	sand.u32 $0x380, s14;
	s17 =	sshra.s32 s17, $0x2  }
0x407: {  	s17 =	sor.u32 s18, s17  }
0x408: {  	[tilespmem:s17+$0xA00] =	vst v3  }
0x409: {  	v3 =	vld [tilespmem:s13+$0xFFFFFFF4];
	_ =	sdelay $0x4  }
0x40a: {  	[tilespmem:s17+$0xA10] =	vst v3  }
0x40b: {  	v3 =	vld [tilespmem:s13+$0x0];
	_ =	sdelay $0x1  }
.Ltmp8:
0x40c: {  	(pc) =	sbr.rel @p0 .LBB2_19-.Ltmp8, $3  }
0x40d: {  	_ =	sdelay $0x1  }
0x40e: {  	s13 =	sadd.s32 $0x80, s13;
	[tilespmem:s17+$0xA1C] =	vst v3  }
0x40f: {  	s17 =	sshrl.u32 s16, $0x3;
	s16 =	sadd.s32 $0x1, s16;
	v3 =	vld [tilespmem:s13+$0xFFFFFFE4]  }
0x410: {  	s16 =	smul.u32 $0x3000, s17  }
0x411: {  	s14 =	sadd.s32 $0x80, s14  }
0x412: {  	s14 =	sand.u32 $0x380, s14;
	s16 =	sshra.s32 s16, $0x2  }
0x413: {  	s14 =	sor.u32 s14, s16  }
0x414: {  	[tilespmem:s14+$0xA00] =	vst v3  }
0x415: {  	v3 =	vld [tilespmem:s13+$0xFFFFFFF4];
	_ =	sdelay $0x4  }
0x416: {  	[tilespmem:s14+$0xA10] =	vst v3  }
0x417: {  	v3 =	vld [tilespmem:s13+$0x0];
	s13 =	sshll.u32 s11, $0x7  }
0x418: {  	p0 =	seq.s32 s11, $0x3;
	s17 =	sadd.s32 s6, s13  }
.Ltmp9:
0x419: {  	s16 =	sshrl.u32 s17, $0x3;
	(pc) =	sbr.rel @p0 .LBB2_22-.Ltmp9, $3  }
0x41a: {  	s16 =	smul.u32 $0x180, s16;
	_ =	sdelay $0x1  }
0x41b: {  	[tilespmem:s14+$0xA1C] =	vst v3;
	s18 =	sadd.s32 s8, s16  }
0x41c: {  	[hbm4b:s18+s1] =	stream.linear.scatter [tilespmem:s15], [sflag:$0x3], $0x6000, $0x38;
	[tilespmem:$0x10200] =	vst v63  }
0x41d: {  	_ =	swait.ge [sflag:s31], $0x6000  }
0x41e: {  	[sflag:s31] =	ssyncset.done $0x0  }
0x41f: {  	s13 =	sand.u32 $0x3FFFFF80, s13;
	[sflag:s31] =	ssyncadd.s32 $0xFFFFA000  }
0x420: {  	v3 =	vld [tilespmem:s13+$0x80];
	_ =	sdelay $0x4  }
0x421: {  	v4 =	vshrl.u32 v3, $0x3  }
0x422: {  	v4 =	vmul.u32 $0x18, v4  }
0x423: {  	v3 =	vand.u32 $0x7, v3  }
0x424: {  	v3 =	vor.u32 v3, v4  }
0x425: {  	v4 =	vperm.xlane v3, v0;
	_ =	sdelay $0x1  }
0x426: {  	v3 =	vperm.xlane v3, v2;
	v4 =	vadd.s32 v1, v4;
	_ =	sdelay $0x1  }
0x427: {  	v3 =	vadd.s32 v1, v3;
	_ =	sdelay $0x2  }
0x428: {  	[tilespmem:s15], [sflag:$0x1] =	stream.indirect_vreg.gather [hbm4b:s3+s1], $0x80, v4, vm0, $0xb8;
	[tilespmem:$0x10200] =	vst v63  }
0x429: {  	s14 =	simm.s32 $0xE00  }
0x42a: {  	[tilespmem:s14], [sflag:$0x1] =	stream.indirect_vreg.gather [hbm4b:s3+s1], $0x80, v3, vm0, $0xb8;
	[tilespmem:$0x10200] =	vst v63  }
0x42b: {  	v3 =	vld [tilespmem:s13+$0x90];
	_ =	sdelay $0x4  }
0x42c: {  	v57 =	vshrl.u32 v3, $0x3  }
0x42d: {  	v4 =	vmul.u32 $0x18, v57  }
0x42e: {  	v3 =	vand.u32 $0x7, v3  }
0x42f: {  	v3 =	vor.u32 v3, v4  }
0x430: {  	v4 =	vperm.xlane v3, v0;
	_ =	sdelay $0x1  }
0x431: {  	v3 =	vperm.xlane v3, v2;
	v4 =	vadd.s32 v1, v4;
	_ =	sdelay $0x1  }
0x432: {  	v3 =	vadd.s32 v1, v3;
	_ =	sdelay $0x1  }
0x433: {  	s16 =	simm.s32 $0x1A00  }
0x434: {  	[tilespmem:s16], [sflag:$0x1] =	stream.indirect_vreg.gather [hbm4b:s3+s1], $0x80, v4, vm0, $0xb8;
	[tilespmem:$0x10200] =	vst v63  }
0x435: {  	s17 =	simm.s32 $0x2600  }
0x436: {  	[tilespmem:s17], [sflag:$0x1] =	stream.indirect_vreg.gather [hbm4b:s3+s1], $0x80, v3, vm0, $0xb8;
	[tilespmem:$0x10200] =	vst v63  }
0x437: {  	v3 =	vld [tilespmem:s13+$0xA0];
	_ =	sdelay $0x4  }
0x438: {  	v58 =	vshrl.u32 v3, $0x3  }
0x439: {  	v4 =	vmul.u32 $0x18, v58  }
0x43a: {  	v3 =	vand.u32 $0x7, v3  }
0x43b: {  	v3 =	vor.u32 v3, v4  }
0x43c: {  	v4 =	vperm.xlane v3, v0;
	_ =	sdelay $0x1  }
0x43d: {  	v3 =	vperm.xlane v3, v2;
	v4 =	vadd.s32 v1, v4;
	_ =	sdelay $0x1  }
0x43e: {  	v3 =	vadd.s32 v1, v3;
	_ =	sdelay $0x1  }
0x43f: {  	s18 =	simm.s32 $0x3200  }
0x440: {  	[tilespmem:s18], [sflag:$0x1] =	stream.indirect_vreg.gather [hbm4b:s3+s1], $0x80, v4, vm0, $0xb8;
	[tilespmem:$0x10200] =	vst v63  }
0x441: {  	s16 =	simm.s32 $0x3E00  }
0x442: {  	[tilespmem:s16], [sflag:$0x1] =	stream.indirect_vreg.gather [hbm4b:s3+s1], $0x80, v3, vm0, $0xb8;
	[tilespmem:$0x10200] =	vst v63  }
0x443: {  	v3 =	vld [tilespmem:s13+$0xB0];
	_ =	sdelay $0x4  }
0x444: {  	v59 =	vshrl.u32 v3, $0x3  }
0x445: {  	v4 =	vmul.u32 $0x18, v59  }
0x446: {  	v3 =	vand.u32 $0x7, v3  }
0x447: {  	v3 =	vor.u32 v3, v4  }
0x448: {  	v4 =	vperm.xlane v3, v0;
	_ =	sdelay $0x1  }
0x449: {  	v3 =	vperm.xlane v3, v2;
	v4 =	vadd.s32 v1, v4;
	_ =	sdelay $0x1  }
0x44a: {  	v3 =	vadd.s32 v1, v3;
	_ =	sdelay $0x1  }
0x44b: {  	s17 =	simm.s32 $0x4A00  }
0x44c: {  	[tilespmem:s17], [sflag:$0x1] =	stream.indirect_vreg.gather [hbm4b:s3+s1], $0x80, v4, vm0, $0xb8;
	[tilespmem:$0x10200] =	vst v63  }
0x44d: {  	s18 =	simm.s32 $0x5600  }
0x44e: {  	[tilespmem:s18], [sflag:$0x1] =	stream.indirect_vreg.gather [hbm4b:s3+s1], $0x80, v3, vm0, $0xb8;
	[tilespmem:$0x10200] =	vst v63  }
0x44f: {  	v3 =	vld [tilespmem:s13+$0x80];
	_ =	sdelay $0x4  }
0x450: {  	v60 =	vshrl.u32 v3, $0x3  }
0x451: {  	v4 =	vmul.u32 $0x18, v60  }
0x452: {  	v3 =	vand.u32 $0x7, v3  }
0x453: {  	v3 =	vor.u32 v3, v4  }
0x454: {  	v4 =	vperm.xlane v3, v0;
	_ =	sdelay $0x1  }
0x455: {  	v3 =	vperm.xlane v3, v2;
	v4 =	vadd.s32 v1, v4;
	_ =	sdelay $0x1  }
0x456: {  	v3 =	vadd.s32 v1, v3;
	_ =	sdelay $0x1  }
0x457: {  	s16 =	simm.s32 $0x600  }
0x458: {  	[tilespmem:s16], [sflag:$0x1] =	stream.indirect_vreg.gather [hbm4b:s10+s1], $0x80, v4, vm0, $0xb8;
	[tilespmem:$0x10200] =	vst v63  }
0x459: {  	s17 =	simm.s32 $0x1200  }
0x45a: {  	[tilespmem:s17], [sflag:$0x1] =	stream.indirect_vreg.gather [hbm4b:s10+s1], $0x80, v3, vm0, $0xb8;
	[tilespmem:$0x10200] =	vst v63  }
0x45b: {  	v3 =	vld [tilespmem:s13+$0x90];
	_ =	sdelay $0x4  }
0x45c: {  	v61 =	vshrl.u32 v3, $0x3  }
0x45d: {  	v4 =	vmul.u32 $0x18, v61  }
0x45e: {  	v3 =	vand.u32 $0x7, v3  }
0x45f: {  	v3 =	vor.u32 v3, v4  }
0x460: {  	v4 =	vperm.xlane v3, v0;
	_ =	sdelay $0x1  }
0x461: {  	v3 =	vperm.xlane v3, v2;
	v4 =	vadd.s32 v1, v4;
	_ =	sdelay $0x1  }
0x462: {  	v3 =	vadd.s32 v1, v3;
	_ =	sdelay $0x1  }
0x463: {  	s18 =	simm.s32 $0x1E00  }
0x464: {  	[tilespmem:s18], [sflag:$0x1] =	stream.indirect_vreg.gather [hbm4b:s10+s1], $0x80, v4, vm0, $0xb8;
	[tilespmem:$0x10200] =	vst v63  }
0x465: {  	s16 =	simm.s32 $0x2A00  }
0x466: {  	[tilespmem:s16], [sflag:$0x1] =	stream.indirect_vreg.gather [hbm4b:s10+s1], $0x80, v3, vm0, $0xb8;
	[tilespmem:$0x10200] =	vst v63  }
0x467: {  	v3 =	vld [tilespmem:s13+$0xA0];
	_ =	sdelay $0x4  }
0x468: {  	v62 =	vshrl.u32 v3, $0x3  }
0x469: {  	v4 =	vmul.u32 $0x18, v62  }
0x46a: {  	v3 =	vand.u32 $0x7, v3  }
0x46b: {  	v3 =	vor.u32 v3, v4  }
0x46c: {  	v4 =	vperm.xlane v3, v0;
	_ =	sdelay $0x1  }
0x46d: {  	v3 =	vperm.xlane v3, v2;
	v4 =	vadd.s32 v1, v4;
	_ =	sdelay $0x1  }
0x46e: {  	v3 =	vadd.s32 v1, v3;
	_ =	sdelay $0x1  }
0x46f: {  	s17 =	simm.s32 $0x3600  }
0x470: {  	[tilespmem:s17], [sflag:$0x1] =	stream.indirect_vreg.gather [hbm4b:s10+s1], $0x80, v4, vm0, $0xb8;
	[tilespmem:$0x10200] =	vst v63  }
0x471: {  	s18 =	simm.s32 $0x4200  }
0x472: {  	[tilespmem:s18], [sflag:$0x1] =	stream.indirect_vreg.gather [hbm4b:s10+s1], $0x80, v3, vm0, $0xb8;
	[tilespmem:$0x10200] =	vst v63  }
0x473: {  	v3 =	vld [tilespmem:s13+$0xB0];
	_ =	sdelay $0x4  }
0x474: {  	v63 =	vshrl.u32 v3, $0x3  }
0x475: {  	v4 =	vmul.u32 $0x18, v63  }
0x476: {  	v3 =	vand.u32 $0x7, v3  }
0x477: {  	v3 =	vor.u32 v3, v4  }
0x478: {  	v4 =	vperm.xlane v3, v0;
	_ =	sdelay $0x1  }
0x479: {  	v3 =	vperm.xlane v3, v2;
	v4 =	vadd.s32 v1, v4;
	_ =	sdelay $0x1  }
0x47a: {  	v3 =	vadd.s32 v1, v3;
	_ =	sdelay $0x1  }
0x47b: {  	s16 =	simm.s32 $0x4E00  }
0x47c: {  	[tilespmem:s16], [sflag:$0x1] =	stream.indirect_vreg.gather [hbm4b:s10+s1], $0x80, v4, vm0, $0xb8;
	[tilespmem:$0x10200] =	vst v63  }
0x47d: {  	s17 =	simm.s32 $0x5A00  }
0x47e: {  	[tilespmem:s17], [sflag:$0x1] =	stream.indirect_vreg.gather [hbm4b:s10+s1], $0x80, v3, vm0, $0xb8;
	[tilespmem:$0x10200] =	vst v63  }
0x47f: {  	s18 =	simm.s32 $0xC200;
	s13 =	sadd.s32 $0x80, s13  }
0x480: {  	[tilespmem:s18], [sflag:$0x1] =	stream.indirect.gather [hbm4b:s4+s0], $0x80, s13, s0, $0xb8;
	[tilespmem:$0x10200] =	vst v63  }
.LBB2_22:
0x481: {  	_ =	swait.ge [sflag:s30], $0x2000  }
0x482: {  	[sflag:s30] =	ssyncset.done $0x0  }
0x483: {  	[sflag:s30] =	ssyncadd.s32 $0xFFFFE000  }
0x484: {  	_ =	swait.ge [sflag:s30], $0x2000  }
0x485: {  	[sflag:s30] =	ssyncset.done $0x0  }
0x486: {  	[sflag:s30] =	ssyncadd.s32 $0xFFFFE000  }
0x487: {  	_ =	swait.ge [sflag:s30], $0x2000  }
0x488: {  	[sflag:s30] =	ssyncset.done $0x0  }
0x489: {  	s14 =	simm.s32 $0xE270;
	[sflag:s30] =	ssyncadd.s32 $0xFFFFE000  }
0x48a: {  	s13 =	simm.s32 $0x0;
	v3 =	vld [tilespmem:s14+$0xFFFFFFE4]  }
0x48b: {  	s16 =	smul.u32 $0x3000, s13  }
0x48c: {  	s13 =	simm.s32 $0x0  }
0x48d: {  	s17 =	sand.u32 $0x380, s13;
	s16 =	sshra.s32 s16, $0x2  }
0x48e: {  	s16 =	sor.u32 s17, s16  }
0x48f: {  	[tilespmem:s16+$0x6A00] =	vst v3  }
0x490: {  	v3 =	vld [tilespmem:s14+$0xFFFFFFF4];
	_ =	sdelay $0x4  }
0x491: {  	[tilespmem:s16+$0x6A10] =	vst v3  }
0x492: {  	v3 =	vld [tilespmem:s14+$0x0];
	_ =	sdelay $0x4  }
0x493: {  	s14 =	simm.s32 $0xE2F0;
	[tilespmem:s16+$0x6A1C] =	vst v3  }
0x494: {  	s17 =	simm.s32 $0x0;
	s16 =	simm.s32 $0x2;
	v3 =	vld [tilespmem:s14+$0xFFFFFFE4]  }
.LBB2_23:
0x495: {  	p0 =	sne.s32 s16, $0x3F;
	s17 =	smul.u32 $0x3000, s17  }
0x496: {  	s13 =	sadd.s32 $0x80, s13  }
0x497: {  	s18 =	sand.u32 $0x380, s13;
	s17 =	sshra.s32 s17, $0x2  }
0x498: {  	s17 =	sor.u32 s18, s17  }
0x499: {  	[tilespmem:s17+$0x6A00] =	vst v3  }
0x49a: {  	v3 =	vld [tilespmem:s14+$0xFFFFFFF4];
	_ =	sdelay $0x4  }
0x49b: {  	[tilespmem:s17+$0x6A10] =	vst v3  }
0x49c: {  	v3 =	vld [tilespmem:s14+$0x0];
	_ =	sdelay $0x1  }
.Ltmp10:
0x49d: {  	(pc) =	sbr.rel @p0 .LBB2_23-.Ltmp10, $3  }
0x49e: {  	_ =	sdelay $0x1  }
0x49f: {  	s14 =	sadd.s32 $0x80, s14;
	[tilespmem:s17+$0x6A1C] =	vst v3  }
0x4a0: {  	s17 =	sshrl.u32 s16, $0x3;
	s16 =	sadd.s32 $0x1, s16;
	v3 =	vld [tilespmem:s14+$0xFFFFFFE4]  }
0x4a1: {  	s16 =	smul.u32 $0x3000, s17  }
0x4a2: {  	s13 =	sadd.s32 $0x80, s13  }
0x4a3: {  	s13 =	sand.u32 $0x380, s13;
	s16 =	sshra.s32 s16, $0x2  }
0x4a4: {  	s13 =	sor.u32 s13, s16  }
0x4a5: {  	[tilespmem:s13+$0x6A00] =	vst v3  }
0x4a6: {  	v3 =	vld [tilespmem:s14+$0xFFFFFFF4];
	_ =	sdelay $0x4  }
0x4a7: {  	[tilespmem:s13+$0x6A10] =	vst v3  }
0x4a8: {  	s11 =	sadd.s32 $0x1, s11;
	v3 =	vld [tilespmem:s14+$0x0]  }
0x4a9: {  	s12 =	sadd.s32 s6, s12;
	p0 =	sne.s32 s11, $0x4  }
.Ltmp11:
0x4aa: {  	s12 =	sshrl.u32 s12, $0x3;
	(pc) =	sbr.rel @p0 .LBB2_18-.Ltmp11, $3  }
0x4ab: {  	s12 =	smul.u32 $0x180, s12;
	_ =	sdelay $0x1  }
0x4ac: {  	s12 =	sadd.s32 s8, s12;
	[tilespmem:s13+$0x6A1C] =	vst v3  }
0x4ad: {  	[hbm4b:s12+s1] =	stream.linear.scatter [tilespmem:s9], [sflag:$0x4], $0x6000, $0x38;
	[tilespmem:$0x10200] =	vst v63  }
0x4ae: {  	_ =	swait.ge [sflag:s31], $0x6000  }
0x4af: {  	[sflag:s31] =	ssyncset.done $0x0  }
0x4b0: {  	s11 =	simm.s32 $0x4;
	[sflag:s31] =	ssyncadd.s32 $0xFFFFA000  }
0x4b1: {  	_ =	swait.ge [sflag:s11], $0x6000  }
0x4b2: {  	s12 =	rddreg [dreg:$0x9]  }
0x4b3: {  	s2 =	rddreg [dreg:$0x8];
	s12 =	sadd.s32 $0x1, s12  }
0x4b4: {  	p0 =	sne.s32 s12, s2  }
.Ltmp12:
0x4b5: {  	_ = 	snop;
	(pc) =	sbr.rel @p0 .LBB2_1-.Ltmp12, $3  }
0x4b6: {  	_ =	sdelay $0x1  }
0x4b7: {  	[sflag:s11] =	ssyncset.done $0x0  }
0x4b8: {  	[sflag:s11] =	ssyncadd.s32 $0xFFFFA000  }
0x4b9: {  	_ =	sfence.sel $0x180000  }
0x4ba: {  	[bflag:$0x0] =	sbarrier.arrive $0xFFFF  }
0x4bb: {  	_ =	strace $0x90000047  }
0x4bc: {  	s0 =	stileid.u32;
	[bflag:$0x2] =	sbarrier.arrive $0xFFFF  }
0x4bd: {  	p0 =	sne.s32 s0, $0x0;
	s0 =	rddreg [dreg:$0x4]  }
0x4be: {  	s0 =	sadd.s32 @!p0 $0x100000, s0  }
0x4bf: {  	[sflag:s0] =	ssyncadd.tile.s32 @!p0 $0x1;
	_ =	shalt  }
.Lfunc_end2:
_tile_overlayer_lowered:
.L_overlay_start_2:
0x4c0: {  	(tag) =	ssettag $0x2  }
0x4c1: {  	s0 =	rddreg [dreg:$0x0];
	s2 =	stileid.u32  }
0x4c2: {  	s1 =	rddreg [dreg:$0x1];
	p0 =	sne.s32 s2, $0x0  }
0x4c3: {  	s3 =	rddreg [dreg:$0x2];
	[bflag:$0x3] =	sbarrier.arrive $0xFFFF;
	s2 =	simm.s32 @!p0 $0x1C05  }
0x4c4: {  	[timem:s3], [sflag:s2] =	dma.local @!p0 [hbm:s0], s1  }
0x4c5: {  	s0 =	simm.s32 @!p0 $0x5  }
0x4c6: {  	_ =	swait.ge @!p0 [sflag:s0], s1  }
0x4c7: {  	s1 =	ssub.s32 @!p0 $0x0, s1;
	[sflag:s0] =	ssyncset.done @!p0 $0x0  }
0x4c8: {  	[sflag:s0] =	ssyncadd.s32 @!p0 s1  }
0x4c9: {  	[bflag:$0x3] =	sbarrier.arrive $0xFFFF  }
0x4ca: {  	_ =	shalt  }

</sc_bundles>
